<compile_context>
chip_gen: v7x
topology: tpu7x:2x2x1
jax: 0.10.2.dev20260603
libtpu: 0.0.44.dev20260713+nightly
codegen_flags: <defaults>
</compile_context>

<pallas_src>
import functools

import jax
import jax.numpy as jnp
from jax import lax
from jax.experimental import pallas as pl
from jax.experimental.pallas import tpu as pltpu
from jax.experimental.pallas import tpu_sc as plsc

B = 16384
D = 64
NUM_WORKERS = 32
BPW = B // NUM_WORKERS
NCHUNK = 4
CHUNK = BPW // NCHUNK
LANES = 16
NGROUP = BPW // LANES


def _body(users_hbm, items_hbm, uemb_hbm, iemb_hbm, ubias_hbm, ibias_hbm,
          out_hbm,
          uidx_v, iidx_v, urows_v, irows_v, ubias_v, ibias_v, out_v, sem):
    nc = 2
    wid = lax.axis_index("s") * nc + lax.axis_index("c")
    base = wid * BPW

    for j in range(NCHUNK):
        off = base + j * CHUNK
        pltpu.sync_copy(users_hbm.at[pl.ds(off, CHUNK)], uidx_v.at[j])
        pltpu.sync_copy(items_hbm.at[pl.ds(off, CHUNK)], iidx_v.at[j])

    copies = []
    for j in range(NCHUNK):
        dst = pl.ds(j * CHUNK, CHUNK)
        copies.append(pltpu.async_copy(uemb_hbm.at[uidx_v.at[j]],
                                       urows_v.at[dst], sem))
        copies.append(pltpu.async_copy(iemb_hbm.at[iidx_v.at[j]],
                                       irows_v.at[dst], sem))
        copies.append(pltpu.async_copy(ubias_hbm.at[uidx_v.at[j]],
                                       ubias_v.at[dst], sem))
        copies.append(pltpu.async_copy(ibias_hbm.at[iidx_v.at[j]],
                                       ibias_v.at[dst], sem))
    for cp in copies:
        cp.wait()

    lane = lax.iota(jnp.int32, LANES)

    def group(g, _):
        bvec = g * LANES + lane
        acc = plsc.load_gather(ubias_v, [bvec])
        acc = acc + plsc.load_gather(ibias_v, [bvec])
        for d in range(D):
            dsplat = jnp.full((LANES,), d, jnp.int32)
            u = plsc.load_gather(urows_v, [bvec, dsplat])
            i = plsc.load_gather(irows_v, [bvec, dsplat])
            acc = acc + u * i
        out_v[pl.ds(g * LANES, LANES)] = acc
        return _

    lax.fori_loop(0, NGROUP, group, None)

    pltpu.sync_copy(out_v, out_hbm.at[pl.ds(base, BPW)])


@functools.partial(jax.jit, donate_argnums=())
def kernel(users, items, user_emb_w, item_emb_w, user_bias_w, item_bias_w):
    mesh = plsc.VectorSubcoreMesh(core_axis_name="c", subcore_axis_name="s")
    f = functools.partial(
        pl.kernel,
        out_type=jax.ShapeDtypeStruct((B,), jnp.float32),
        mesh=mesh,
        compiler_params=pltpu.CompilerParams(
            needs_layout_passes=False, use_tc_tiling_on_sc=False),
        scratch_types=[
            pltpu.VMEM((NCHUNK, CHUNK), jnp.int32),
            pltpu.VMEM((NCHUNK, CHUNK), jnp.int32),
            pltpu.VMEM((BPW, D), jnp.float32),
            pltpu.VMEM((BPW, D), jnp.float32),
            pltpu.VMEM((BPW,), jnp.float32),
            pltpu.VMEM((BPW,), jnp.float32),
            pltpu.VMEM((BPW,), jnp.float32),
            pltpu.SemaphoreType.DMA,
        ],
    )(_body)
    return f(users.astype(jnp.int32), items.astype(jnp.int32),
             user_emb_w, item_emb_w,
             user_bias_w.reshape(-1), item_bias_w.reshape(-1))

# --- scband reference (transcript-rebuilt; emitter-appended) ---
"""Pipeline reference for scband-bprmfmodel-32916629356789 (READ-ONLY COPY).

The authoritative reference and input builder live on the scoring server;
editing this copy changes nothing except your own understanding.
"""

import jax, jax.numpy as jnp
import numpy as np

N_USERS = 100000
N_ITEMS = 1000000
EMBED_DIM = 64
BATCH = 16384

def setup_inputs(seed: int = 0) -> dict:
    key = jax.random.key(seed)
    k1, k2, k3, k4 = jax.random.split(key, 4)
    users = jax.random.randint(k1, (BATCH,), 0, N_USERS)
    items = jax.random.randint(k2, (BATCH,), 0, N_ITEMS)
    # Xavier uniform init for embedding tables
    bound_u = float(np.sqrt(6.0 / (N_USERS + EMBED_DIM)))
    bound_i = float(np.sqrt(6.0 / (N_ITEMS + EMBED_DIM)))
    user_emb_w = jax.random.uniform(k3, (N_USERS, EMBED_DIM), minval=-bound_u, maxval=bound_u, dtype=jnp.float32)
    item_emb_w = jax.random.uniform(k4, (N_ITEMS, EMBED_DIM), minval=-bound_i, maxval=bound_i, dtype=jnp.float32)
    user_bias_w = jnp.zeros((N_USERS, 1), dtype=jnp.float32)
    item_bias_w = jnp.zeros((N_ITEMS, 1), dtype=jnp.float32)
    return {
        "users": users,
        "items": items,
        "user_emb_w": user_emb_w,
        "item_emb_w": item_emb_w,
        "user_bias_w": user_bias_w,
        "item_bias_w": item_bias_w,
    }

def reference(users, items, user_emb_w, item_emb_w, user_bias_w, item_bias_w):
    u_emb = jnp.take(user_emb_w, users, axis=0)
    i_emb = jnp.take(item_emb_w, items, axis=0)
    u_bias = jnp.take(user_bias_w, users, axis=0)[..., 0]
    i_bias = jnp.take(item_bias_w, items, axis=0)[..., 0]
    scores = (u_emb * i_emb).sum(axis=-1) + u_bias + i_bias
    return scores

if __name__ == "__main__":
    import jax
    _d = setup_inputs()
    print(jax.jit(kernel)(*tuple(_d.values())))

</pallas_src>

<mosaic_0001>
#map = affine_map<(d0, d1) -> (0)>
#map1 = affine_map<(d0, d1) -> (0, 0)>
module attributes {stable_mosaic.version = 14 : i64} {
  func.func @_body(%arg0: i32, %arg1: i32, %arg2: memref<16384xi32, #tpu.memory_space<hbm>>, %arg3: memref<16384xi32, #tpu.memory_space<hbm>>, %arg4: memref<100000x64xf32, #tpu.memory_space<hbm>>, %arg5: memref<1000000x64xf32, #tpu.memory_space<hbm>>, %arg6: memref<100000xf32, #tpu.memory_space<hbm>>, %arg7: memref<1000000xf32, #tpu.memory_space<hbm>>, %arg8: memref<16384xf32, #tpu.memory_space<hbm>>, %arg9: memref<4x128xi32, #tpu.memory_space<vmem>>, %arg10: memref<4x128xi32, #tpu.memory_space<vmem>>, %arg11: memref<512x64xf32, #tpu.memory_space<vmem>>, %arg12: memref<512x64xf32, #tpu.memory_space<vmem>>, %arg13: memref<512xf32, #tpu.memory_space<vmem>>, %arg14: memref<512xf32, #tpu.memory_space<vmem>>, %arg15: memref<512xf32, #tpu.memory_space<vmem>>, %arg16: memref<!tpu.dma_semaphore, #tpu.memory_space<semaphore_mem>>) attributes {dimension_semantics = [#tpu.dimension_semantics<core_parallel>, #tpu.dimension_semantics<subcore_parallel>], iteration_bounds = array<i64: 2, 16>, scalar_prefetch = 0 : i64, scratch_operands = 8 : i64, tpu.core_type = #tpu.core_type<sc_vector_subcore>, window_params = [{transform_indices = #map}, {transform_indices = #map}, {transform_indices = #map1}, {transform_indices = #map1}, {transform_indices = #map}, {transform_indices = #map}, {transform_indices = #map}]} {
    %mul3A = arith.constant 2 : i32
    %mul3A_0 = arith.muli %arg1, %mul3A : i32
    %add3A = arith.addi %mul3A_0, %arg0 : i32
    %mul3A_1 = arith.constant 512 : i32
    %mul3A_2 = arith.muli %add3A, %mul3A_1 : i32
    %add3A_3 = arith.constant 0 : i32
    %add3A_4 = arith.addi %mul3A_2, %add3A_3 : i32
    %run_scoped3A = arith.constant 0 : i32
    "tpu.region"() ({
      %run_scoped3A_308 = tpu.sem_alloc : memref<!tpu.dma_semaphore, #tpu.memory_space<semaphore_mem>>
      %dma_start3A_309 = arith.constant 0 : i32
      %dma_start3A_310 = tpu.memref_slice %arg9[%run_scoped3A, %dma_start3A_309] : memref<4x128xi32, #tpu.memory_space<vmem>> -> memref<1x128xi32, #tpu.memory_space<vmem>>
      %dma_start3A_311 = tpu.memref_squeeze %dma_start3A_310 : memref<1x128xi32, #tpu.memory_space<vmem>> -> memref<128xi32, #tpu.memory_space<vmem>>
      %dma_start3A_312 = tpu.memref_slice %arg2[%add3A_4] : memref<16384xi32, #tpu.memory_space<hbm>> -> memref<128xi32, #tpu.memory_space<hbm>>
      %dma_start3A_313 = arith.constant 0 : i32
      %dma_start3A_314 = tpu.memref_slice %arg9[%run_scoped3A, %dma_start3A_313] : memref<4x128xi32, #tpu.memory_space<vmem>> -> memref<1x128xi32, #tpu.memory_space<vmem>>
      %dma_start3A_315 = tpu.memref_squeeze %dma_start3A_314 : memref<1x128xi32, #tpu.memory_space<vmem>> -> memref<128xi32, #tpu.memory_space<vmem>>
      %dma_start3A_316 = tpu.memref_slice %arg2[%add3A_4] : memref<16384xi32, #tpu.memory_space<hbm>> -> memref<128xi32, #tpu.memory_space<hbm>>
      tpu.enqueue_dma source(%dma_start3A_316 : memref<128xi32, #tpu.memory_space<hbm>>) target(%dma_start3A_315 : memref<128xi32, #tpu.memory_space<vmem>>) target_semaphore(%run_scoped3A_308 : memref<!tpu.dma_semaphore, #tpu.memory_space<semaphore_mem>>)
      %dma_wait3A_317 = arith.constant 0 : i32
      %dma_wait3A_318 = tpu.memref_slice %arg9[%run_scoped3A, %dma_wait3A_317] : memref<4x128xi32, #tpu.memory_space<vmem>> -> memref<1x128xi32, #tpu.memory_space<vmem>>
      %dma_wait3A_319 = tpu.memref_squeeze %dma_wait3A_318 : memref<1x128xi32, #tpu.memory_space<vmem>> -> memref<128xi32, #tpu.memory_space<vmem>>
      %dma_wait3A_320 = tpu.memref_slice %arg2[%add3A_4] : memref<16384xi32, #tpu.memory_space<hbm>> -> memref<128xi32, #tpu.memory_space<hbm>>
      %dma_wait3A_321 = arith.constant 0 : i32
      %dma_wait3A_322 = tpu.memref_slice %arg9[%run_scoped3A, %dma_wait3A_321] : memref<4x128xi32, #tpu.memory_space<vmem>> -> memref<1x128xi32, #tpu.memory_space<vmem>>
      %dma_wait3A_323 = tpu.memref_squeeze %dma_wait3A_322 : memref<1x128xi32, #tpu.memory_space<vmem>> -> memref<128xi32, #tpu.memory_space<vmem>>
      %dma_wait3A_324 = tpu.memref_slice %arg2[%add3A_4] : memref<16384xi32, #tpu.memory_space<hbm>> -> memref<128xi32, #tpu.memory_space<hbm>>
      tpu.wait_dma2 semaphore(%run_scoped3A_308 : memref<!tpu.dma_semaphore, #tpu.memory_space<semaphore_mem>>) src(%dma_wait3A_324 : memref<128xi32, #tpu.memory_space<hbm>>) dst(%dma_wait3A_323 : memref<128xi32, #tpu.memory_space<vmem>>)
      tpu.yield
    }) : () -> ()
    %run_scoped3A_5 = arith.constant 0 : i32
    "tpu.region"() ({
      %run_scoped3A_308 = tpu.sem_alloc : memref<!tpu.dma_semaphore, #tpu.memory_space<semaphore_mem>>
      %dma_start3A_309 = arith.constant 0 : i32
      %dma_start3A_310 = tpu.memref_slice %arg10[%run_scoped3A_5, %dma_start3A_309] : memref<4x128xi32, #tpu.memory_space<vmem>> -> memref<1x128xi32, #tpu.memory_space<vmem>>
      %dma_start3A_311 = tpu.memref_squeeze %dma_start3A_310 : memref<1x128xi32, #tpu.memory_space<vmem>> -> memref<128xi32, #tpu.memory_space<vmem>>
      %dma_start3A_312 = tpu.memref_slice %arg3[%add3A_4] : memref<16384xi32, #tpu.memory_space<hbm>> -> memref<128xi32, #tpu.memory_space<hbm>>
      %dma_start3A_313 = arith.constant 0 : i32
      %dma_start3A_314 = tpu.memref_slice %arg10[%run_scoped3A_5, %dma_start3A_313] : memref<4x128xi32, #tpu.memory_space<vmem>> -> memref<1x128xi32, #tpu.memory_space<vmem>>
      %dma_start3A_315 = tpu.memref_squeeze %dma_start3A_314 : memref<1x128xi32, #tpu.memory_space<vmem>> -> memref<128xi32, #tpu.memory_space<vmem>>
      %dma_start3A_316 = tpu.memref_slice %arg3[%add3A_4] : memref<16384xi32, #tpu.memory_space<hbm>> -> memref<128xi32, #tpu.memory_space<hbm>>
      tpu.enqueue_dma source(%dma_start3A_316 : memref<128xi32, #tpu.memory_space<hbm>>) target(%dma_start3A_315 : memref<128xi32, #tpu.memory_space<vmem>>) target_semaphore(%run_scoped3A_308 : memref<!tpu.dma_semaphore, #tpu.memory_space<semaphore_mem>>)
      %dma_wait3A_317 = arith.constant 0 : i32
      %dma_wait3A_318 = tpu.memref_slice %arg10[%run_scoped3A_5, %dma_wait3A_317] : memref<4x128xi32, #tpu.memory_space<vmem>> -> memref<1x128xi32, #tpu.memory_space<vmem>>
      %dma_wait3A_319 = tpu.memref_squeeze %dma_wait3A_318 : memref<1x128xi32, #tpu.memory_space<vmem>> -> memref<128xi32, #tpu.memory_space<vmem>>
      %dma_wait3A_320 = tpu.memref_slice %arg3[%add3A_4] : memref<16384xi32, #tpu.memory_space<hbm>> -> memref<128xi32, #tpu.memory_space<hbm>>
      %dma_wait3A_321 = arith.constant 0 : i32
      %dma_wait3A_322 = tpu.memref_slice %arg10[%run_scoped3A_5, %dma_wait3A_321] : memref<4x128xi32, #tpu.memory_space<vmem>> -> memref<1x128xi32, #tpu.memory_space<vmem>>
      %dma_wait3A_323 = tpu.memref_squeeze %dma_wait3A_322 : memref<1x128xi32, #tpu.memory_space<vmem>> -> memref<128xi32, #tpu.memory_space<vmem>>
      %dma_wait3A_324 = tpu.memref_slice %arg3[%add3A_4] : memref<16384xi32, #tpu.memory_space<hbm>> -> memref<128xi32, #tpu.memory_space<hbm>>
      tpu.wait_dma2 semaphore(%run_scoped3A_308 : memref<!tpu.dma_semaphore, #tpu.memory_space<semaphore_mem>>) src(%dma_wait3A_324 : memref<128xi32, #tpu.memory_space<hbm>>) dst(%dma_wait3A_323 : memref<128xi32, #tpu.memory_space<vmem>>)
      tpu.yield
    }) : () -> ()
    %add3A_6 = arith.constant 128 : i32
    %add3A_7 = arith.addi %mul3A_2, %add3A_6 : i32
    %run_scoped3A_8 = arith.constant 1 : i32
    "tpu.region"() ({
      %run_scoped3A_308 = tpu.sem_alloc : memref<!tpu.dma_semaphore, #tpu.memory_space<semaphore_mem>>
      %dma_start3A_309 = arith.constant 0 : i32
      %dma_start3A_310 = tpu.memref_slice %arg9[%run_scoped3A_8, %dma_start3A_309] : memref<4x128xi32, #tpu.memory_space<vmem>> -> memref<1x128xi32, #tpu.memory_space<vmem>>
      %dma_start3A_311 = tpu.memref_squeeze %dma_start3A_310 : memref<1x128xi32, #tpu.memory_space<vmem>> -> memref<128xi32, #tpu.memory_space<vmem>>
      %dma_start3A_312 = tpu.memref_slice %arg2[%add3A_7] : memref<16384xi32, #tpu.memory_space<hbm>> -> memref<128xi32, #tpu.memory_space<hbm>>
      %dma_start3A_313 = arith.constant 0 : i32
      %dma_start3A_314 = tpu.memref_slice %arg9[%run_scoped3A_8, %dma_start3A_313] : memref<4x128xi32, #tpu.memory_space<vmem>> -> memref<1x128xi32, #tpu.memory_space<vmem>>
      %dma_start3A_315 = tpu.memref_squeeze %dma_start3A_314 : memref<1x128xi32, #tpu.memory_space<vmem>> -> memref<128xi32, #tpu.memory_space<vmem>>
      %dma_start3A_316 = tpu.memref_slice %arg2[%add3A_7] : memref<16384xi32, #tpu.memory_space<hbm>> -> memref<128xi32, #tpu.memory_space<hbm>>
      tpu.enqueue_dma source(%dma_start3A_316 : memref<128xi32, #tpu.memory_space<hbm>>) target(%dma_start3A_315 : memref<128xi32, #tpu.memory_space<vmem>>) target_semaphore(%run_scoped3A_308 : memref<!tpu.dma_semaphore, #tpu.memory_space<semaphore_mem>>)
      %dma_wait3A_317 = arith.constant 0 : i32
      %dma_wait3A_318 = tpu.memref_slice %arg9[%run_scoped3A_8, %dma_wait3A_317] : memref<4x128xi32, #tpu.memory_space<vmem>> -> memref<1x128xi32, #tpu.memory_space<vmem>>
      %dma_wait3A_319 = tpu.memref_squeeze %dma_wait3A_318 : memref<1x128xi32, #tpu.memory_space<vmem>> -> memref<128xi32, #tpu.memory_space<vmem>>
      %dma_wait3A_320 = tpu.memref_slice %arg2[%add3A_7] : memref<16384xi32, #tpu.memory_space<hbm>> -> memref<128xi32, #tpu.memory_space<hbm>>
      %dma_wait3A_321 = arith.constant 0 : i32
      %dma_wait3A_322 = tpu.memref_slice %arg9[%run_scoped3A_8, %dma_wait3A_321] : memref<4x128xi32, #tpu.memory_space<vmem>> -> memref<1x128xi32, #tpu.memory_space<vmem>>
      %dma_wait3A_323 = tpu.memref_squeeze %dma_wait3A_322 : memref<1x128xi32, #tpu.memory_space<vmem>> -> memref<128xi32, #tpu.memory_space<vmem>>
      %dma_wait3A_324 = tpu.memref_slice %arg2[%add3A_7] : memref<16384xi32, #tpu.memory_space<hbm>> -> memref<128xi32, #tpu.memory_space<hbm>>
      tpu.wait_dma2 semaphore(%run_scoped3A_308 : memref<!tpu.dma_semaphore, #tpu.memory_space<semaphore_mem>>) src(%dma_wait3A_324 : memref<128xi32, #tpu.memory_space<hbm>>) dst(%dma_wait3A_323 : memref<128xi32, #tpu.memory_space<vmem>>)
      tpu.yield
    }) : () -> ()
    %run_scoped3A_9 = arith.constant 1 : i32
    "tpu.region"() ({
      %run_scoped3A_308 = tpu.sem_alloc : memref<!tpu.dma_semaphore, #tpu.memory_space<semaphore_mem>>
      %dma_start3A_309 = arith.constant 0 : i32
      %dma_start3A_310 = tpu.memref_slice %arg10[%run_scoped3A_9, %dma_start3A_309] : memref<4x128xi32, #tpu.memory_space<vmem>> -> memref<1x128xi32, #tpu.memory_space<vmem>>
      %dma_start3A_311 = tpu.memref_squeeze %dma_start3A_310 : memref<1x128xi32, #tpu.memory_space<vmem>> -> memref<128xi32, #tpu.memory_space<vmem>>
      %dma_start3A_312 = tpu.memref_slice %arg3[%add3A_7] : memref<16384xi32, #tpu.memory_space<hbm>> -> memref<128xi32, #tpu.memory_space<hbm>>
      %dma_start3A_313 = arith.constant 0 : i32
      %dma_start3A_314 = tpu.memref_slice %arg10[%run_scoped3A_9, %dma_start3A_313] : memref<4x128xi32, #tpu.memory_space<vmem>> -> memref<1x128xi32, #tpu.memory_space<vmem>>
      %dma_start3A_315 = tpu.memref_squeeze %dma_start3A_314 : memref<1x128xi32, #tpu.memory_space<vmem>> -> memref<128xi32, #tpu.memory_space<vmem>>
      %dma_start3A_316 = tpu.memref_slice %arg3[%add3A_7] : memref<16384xi32, #tpu.memory_space<hbm>> -> memref<128xi32, #tpu.memory_space<hbm>>
      tpu.enqueue_dma source(%dma_start3A_316 : memref<128xi32, #tpu.memory_space<hbm>>) target(%dma_start3A_315 : memref<128xi32, #tpu.memory_space<vmem>>) target_semaphore(%run_scoped3A_308 : memref<!tpu.dma_semaphore, #tpu.memory_space<semaphore_mem>>)
      %dma_wait3A_317 = arith.constant 0 : i32
      %dma_wait3A_318 = tpu.memref_slice %arg10[%run_scoped3A_9, %dma_wait3A_317] : memref<4x128xi32, #tpu.memory_space<vmem>> -> memref<1x128xi32, #tpu.memory_space<vmem>>
      %dma_wait3A_319 = tpu.memref_squeeze %dma_wait3A_318 : memref<1x128xi32, #tpu.memory_space<vmem>> -> memref<128xi32, #tpu.memory_space<vmem>>
      %dma_wait3A_320 = tpu.memref_slice %arg3[%add3A_7] : memref<16384xi32, #tpu.memory_space<hbm>> -> memref<128xi32, #tpu.memory_space<hbm>>
      %dma_wait3A_321 = arith.constant 0 : i32
      %dma_wait3A_322 = tpu.memref_slice %arg10[%run_scoped3A_9, %dma_wait3A_321] : memref<4x128xi32, #tpu.memory_space<vmem>> -> memref<1x128xi32, #tpu.memory_space<vmem>>
      %dma_wait3A_323 = tpu.memref_squeeze %dma_wait3A_322 : memref<1x128xi32, #tpu.memory_space<vmem>> -> memref<128xi32, #tpu.memory_space<vmem>>
      %dma_wait3A_324 = tpu.memref_slice %arg3[%add3A_7] : memref<16384xi32, #tpu.memory_space<hbm>> -> memref<128xi32, #tpu.memory_space<hbm>>
      tpu.wait_dma2 semaphore(%run_scoped3A_308 : memref<!tpu.dma_semaphore, #tpu.memory_space<semaphore_mem>>) src(%dma_wait3A_324 : memref<128xi32, #tpu.memory_space<hbm>>) dst(%dma_wait3A_323 : memref<128xi32, #tpu.memory_space<vmem>>)
      tpu.yield
    }) : () -> ()
    %add3A_10 = arith.constant 256 : i32
    %add3A_11 = arith.addi %mul3A_2, %add3A_10 : i32
    %run_scoped3A_12 = arith.constant 2 : i32
    "tpu.region"() ({
      %run_scoped3A_308 = tpu.sem_alloc : memref<!tpu.dma_semaphore, #tpu.memory_space<semaphore_mem>>
      %dma_start3A_309 = arith.constant 0 : i32
      %dma_start3A_310 = tpu.memref_slice %arg9[%run_scoped3A_12, %dma_start3A_309] : memref<4x128xi32, #tpu.memory_space<vmem>> -> memref<1x128xi32, #tpu.memory_space<vmem>>
      %dma_start3A_311 = tpu.memref_squeeze %dma_start3A_310 : memref<1x128xi32, #tpu.memory_space<vmem>> -> memref<128xi32, #tpu.memory_space<vmem>>
      %dma_start3A_312 = tpu.memref_slice %arg2[%add3A_11] : memref<16384xi32, #tpu.memory_space<hbm>> -> memref<128xi32, #tpu.memory_space<hbm>>
      %dma_start3A_313 = arith.constant 0 : i32
      %dma_start3A_314 = tpu.memref_slice %arg9[%run_scoped3A_12, %dma_start3A_313] : memref<4x128xi32, #tpu.memory_space<vmem>> -> memref<1x128xi32, #tpu.memory_space<vmem>>
      %dma_start3A_315 = tpu.memref_squeeze %dma_start3A_314 : memref<1x128xi32, #tpu.memory_space<vmem>> -> memref<128xi32, #tpu.memory_space<vmem>>
      %dma_start3A_316 = tpu.memref_slice %arg2[%add3A_11] : memref<16384xi32, #tpu.memory_space<hbm>> -> memref<128xi32, #tpu.memory_space<hbm>>
      tpu.enqueue_dma source(%dma_start3A_316 : memref<128xi32, #tpu.memory_space<hbm>>) target(%dma_start3A_315 : memref<128xi32, #tpu.memory_space<vmem>>) target_semaphore(%run_scoped3A_308 : memref<!tpu.dma_semaphore, #tpu.memory_space<semaphore_mem>>)
      %dma_wait3A_317 = arith.constant 0 : i32
      %dma_wait3A_318 = tpu.memref_slice %arg9[%run_scoped3A_12, %dma_wait3A_317] : memref<4x128xi32, #tpu.memory_space<vmem>> -> memref<1x128xi32, #tpu.memory_space<vmem>>
      %dma_wait3A_319 = tpu.memref_squeeze %dma_wait3A_318 : memref<1x128xi32, #tpu.memory_space<vmem>> -> memref<128xi32, #tpu.memory_space<vmem>>
      %dma_wait3A_320 = tpu.memref_slice %arg2[%add3A_11] : memref<16384xi32, #tpu.memory_space<hbm>> -> memref<128xi32, #tpu.memory_space<hbm>>
      %dma_wait3A_321 = arith.constant 0 : i32
      %dma_wait3A_322 = tpu.memref_slice %arg9[%run_scoped3A_12, %dma_wait3A_321] : memref<4x128xi32, #tpu.memory_space<vmem>> -> memref<1x128xi32, #tpu.memory_space<vmem>>
      %dma_wait3A_323 = tpu.memref_squeeze %dma_wait3A_322 : memref<1x128xi32, #tpu.memory_space<vmem>> -> memref<128xi32, #tpu.memory_space<vmem>>
      %dma_wait3A_324 = tpu.memref_slice %arg2[%add3A_11] : memref<16384xi32, #tpu.memory_space<hbm>> -> memref<128xi32, #tpu.memory_space<hbm>>
      tpu.wait_dma2 semaphore(%run_scoped3A_308 : memref<!tpu.dma_semaphore, #tpu.memory_space<semaphore_mem>>) src(%dma_wait3A_324 : memref<128xi32, #tpu.memory_space<hbm>>) dst(%dma_wait3A_323 : memref<128xi32, #tpu.memory_space<vmem>>)
      tpu.yield
    }) : () -> ()
    %run_scoped3A_13 = arith.constant 2 : i32
    "tpu.region"() ({
      %run_scoped3A_308 = tpu.sem_alloc : memref<!tpu.dma_semaphore, #tpu.memory_space<semaphore_mem>>
      %dma_start3A_309 = arith.constant 0 : i32
      %dma_start3A_310 = tpu.memref_slice %arg10[%run_scoped3A_13, %dma_start3A_309] : memref<4x128xi32, #tpu.memory_space<vmem>> -> memref<1x128xi32, #tpu.memory_space<vmem>>
      %dma_start3A_311 = tpu.memref_squeeze %dma_start3A_310 : memref<1x128xi32, #tpu.memory_space<vmem>> -> memref<128xi32, #tpu.memory_space<vmem>>
      %dma_start3A_312 = tpu.memref_slice %arg3[%add3A_11] : memref<16384xi32, #tpu.memory_space<hbm>> -> memref<128xi32, #tpu.memory_space<hbm>>
      %dma_start3A_313 = arith.constant 0 : i32
      %dma_start3A_314 = tpu.memref_slice %arg10[%run_scoped3A_13, %dma_start3A_313] : memref<4x128xi32, #tpu.memory_space<vmem>> -> memref<1x128xi32, #tpu.memory_space<vmem>>
      %dma_start3A_315 = tpu.memref_squeeze %dma_start3A_314 : memref<1x128xi32, #tpu.memory_space<vmem>> -> memref<128xi32, #tpu.memory_space<vmem>>
      %dma_start3A_316 = tpu.memref_slice %arg3[%add3A_11] : memref<16384xi32, #tpu.memory_space<hbm>> -> memref<128xi32, #tpu.memory_space<hbm>>
      tpu.enqueue_dma source(%dma_start3A_316 : memref<128xi32, #tpu.memory_space<hbm>>) target(%dma_start3A_315 : memref<128xi32, #tpu.memory_space<vmem>>) target_semaphore(%run_scoped3A_308 : memref<!tpu.dma_semaphore, #tpu.memory_space<semaphore_mem>>)
      %dma_wait3A_317 = arith.constant 0 : i32
      %dma_wait3A_318 = tpu.memref_slice %arg10[%run_scoped3A_13, %dma_wait3A_317] : memref<4x128xi32, #tpu.memory_space<vmem>> -> memref<1x128xi32, #tpu.memory_space<vmem>>
      %dma_wait3A_319 = tpu.memref_squeeze %dma_wait3A_318 : memref<1x128xi32, #tpu.memory_space<vmem>> -> memref<128xi32, #tpu.memory_space<vmem>>
      %dma_wait3A_320 = tpu.memref_slice %arg3[%add3A_11] : memref<16384xi32, #tpu.memory_space<hbm>> -> memref<128xi32, #tpu.memory_space<hbm>>
      %dma_wait3A_321 = arith.constant 0 : i32
      %dma_wait3A_322 = tpu.memref_slice %arg10[%run_scoped3A_13, %dma_wait3A_321] : memref<4x128xi32, #tpu.memory_space<vmem>> -> memref<1x128xi32, #tpu.memory_space<vmem>>
      %dma_wait3A_323 = tpu.memref_squeeze %dma_wait3A_322 : memref<1x128xi32, #tpu.memory_space<vmem>> -> memref<128xi32, #tpu.memory_space<vmem>>
      %dma_wait3A_324 = tpu.memref_slice %arg3[%add3A_11] : memref<16384xi32, #tpu.memory_space<hbm>> -> memref<128xi32, #tpu.memory_space<hbm>>
      tpu.wait_dma2 semaphore(%run_scoped3A_308 : memref<!tpu.dma_semaphore, #tpu.memory_space<semaphore_mem>>) src(%dma_wait3A_324 : memref<128xi32, #tpu.memory_space<hbm>>) dst(%dma_wait3A_323 : memref<128xi32, #tpu.memory_space<vmem>>)
      tpu.yield
    }) : () -> ()
    %add3A_14 = arith.constant 384 : i32
    %add3A_15 = arith.addi %mul3A_2, %add3A_14 : i32
    %run_scoped3A_16 = arith.constant 3 : i32
    "tpu.region"() ({
      %run_scoped3A_308 = tpu.sem_alloc : memref<!tpu.dma_semaphore, #tpu.memory_space<semaphore_mem>>
      %dma_start3A_309 = arith.constant 0 : i32
      %dma_start3A_310 = tpu.memref_slice %arg9[%run_scoped3A_16, %dma_start3A_309] : memref<4x128xi32, #tpu.memory_space<vmem>> -> memref<1x128xi32, #tpu.memory_space<vmem>>
      %dma_start3A_311 = tpu.memref_squeeze %dma_start3A_310 : memref<1x128xi32, #tpu.memory_space<vmem>> -> memref<128xi32, #tpu.memory_space<vmem>>
      %dma_start3A_312 = tpu.memref_slice %arg2[%add3A_15] : memref<16384xi32, #tpu.memory_space<hbm>> -> memref<128xi32, #tpu.memory_space<hbm>>
      %dma_start3A_313 = arith.constant 0 : i32
      %dma_start3A_314 = tpu.memref_slice %arg9[%run_scoped3A_16, %dma_start3A_313] : memref<4x128xi32, #tpu.memory_space<vmem>> -> memref<1x128xi32, #tpu.memory_space<vmem>>
      %dma_start3A_315 = tpu.memref_squeeze %dma_start3A_314 : memref<1x128xi32, #tpu.memory_space<vmem>> -> memref<128xi32, #tpu.memory_space<vmem>>
      %dma_start3A_316 = tpu.memref_slice %arg2[%add3A_15] : memref<16384xi32, #tpu.memory_space<hbm>> -> memref<128xi32, #tpu.memory_space<hbm>>
      tpu.enqueue_dma source(%dma_start3A_316 : memref<128xi32, #tpu.memory_space<hbm>>) target(%dma_start3A_315 : memref<128xi32, #tpu.memory_space<vmem>>) target_semaphore(%run_scoped3A_308 : memref<!tpu.dma_semaphore, #tpu.memory_space<semaphore_mem>>)
      %dma_wait3A_317 = arith.constant 0 : i32
      %dma_wait3A_318 = tpu.memref_slice %arg9[%run_scoped3A_16, %dma_wait3A_317] : memref<4x128xi32, #tpu.memory_space<vmem>> -> memref<1x128xi32, #tpu.memory_space<vmem>>
      %dma_wait3A_319 = tpu.memref_squeeze %dma_wait3A_318 : memref<1x128xi32, #tpu.memory_space<vmem>> -> memref<128xi32, #tpu.memory_space<vmem>>
      %dma_wait3A_320 = tpu.memref_slice %arg2[%add3A_15] : memref<16384xi32, #tpu.memory_space<hbm>> -> memref<128xi32, #tpu.memory_space<hbm>>
      %dma_wait3A_321 = arith.constant 0 : i32
      %dma_wait3A_322 = tpu.memref_slice %arg9[%run_scoped3A_16, %dma_wait3A_321] : memref<4x128xi32, #tpu.memory_space<vmem>> -> memref<1x128xi32, #tpu.memory_space<vmem>>
      %dma_wait3A_323 = tpu.memref_squeeze %dma_wait3A_322 : memref<1x128xi32, #tpu.memory_space<vmem>> -> memref<128xi32, #tpu.memory_space<vmem>>
      %dma_wait3A_324 = tpu.memref_slice %arg2[%add3A_15] : memref<16384xi32, #tpu.memory_space<hbm>> -> memref<128xi32, #tpu.memory_space<hbm>>
      tpu.wait_dma2 semaphore(%run_scoped3A_308 : memref<!tpu.dma_semaphore, #tpu.memory_space<semaphore_mem>>) src(%dma_wait3A_324 : memref<128xi32, #tpu.memory_space<hbm>>) dst(%dma_wait3A_323 : memref<128xi32, #tpu.memory_space<vmem>>)
      tpu.yield
    }) : () -> ()
    %run_scoped3A_17 = arith.constant 3 : i32
    "tpu.region"() ({
      %run_scoped3A_308 = tpu.sem_alloc : memref<!tpu.dma_semaphore, #tpu.memory_space<semaphore_mem>>
      %dma_start3A_309 = arith.constant 0 : i32
      %dma_start3A_310 = tpu.memref_slice %arg10[%run_scoped3A_17, %dma_start3A_309] : memref<4x128xi32, #tpu.memory_space<vmem>> -> memref<1x128xi32, #tpu.memory_space<vmem>>
      %dma_start3A_311 = tpu.memref_squeeze %dma_start3A_310 : memref<1x128xi32, #tpu.memory_space<vmem>> -> memref<128xi32, #tpu.memory_space<vmem>>
      %dma_start3A_312 = tpu.memref_slice %arg3[%add3A_15] : memref<16384xi32, #tpu.memory_space<hbm>> -> memref<128xi32, #tpu.memory_space<hbm>>
      %dma_start3A_313 = arith.constant 0 : i32
      %dma_start3A_314 = tpu.memref_slice %arg10[%run_scoped3A_17, %dma_start3A_313] : memref<4x128xi32, #tpu.memory_space<vmem>> -> memref<1x128xi32, #tpu.memory_space<vmem>>
      %dma_start3A_315 = tpu.memref_squeeze %dma_start3A_314 : memref<1x128xi32, #tpu.memory_space<vmem>> -> memref<128xi32, #tpu.memory_space<vmem>>
      %dma_start3A_316 = tpu.memref_slice %arg3[%add3A_15] : memref<16384xi32, #tpu.memory_space<hbm>> -> memref<128xi32, #tpu.memory_space<hbm>>
      tpu.enqueue_dma source(%dma_start3A_316 : memref<128xi32, #tpu.memory_space<hbm>>) target(%dma_start3A_315 : memref<128xi32, #tpu.memory_space<vmem>>) target_semaphore(%run_scoped3A_308 : memref<!tpu.dma_semaphore, #tpu.memory_space<semaphore_mem>>)
      %dma_wait3A_317 = arith.constant 0 : i32
      %dma_wait3A_318 = tpu.memref_slice %arg10[%run_scoped3A_17, %dma_wait3A_317] : memref<4x128xi32, #tpu.memory_space<vmem>> -> memref<1x128xi32, #tpu.memory_space<vmem>>
      %dma_wait3A_319 = tpu.memref_squeeze %dma_wait3A_318 : memref<1x128xi32, #tpu.memory_space<vmem>> -> memref<128xi32, #tpu.memory_space<vmem>>
      %dma_wait3A_320 = tpu.memref_slice %arg3[%add3A_15] : memref<16384xi32, #tpu.memory_space<hbm>> -> memref<128xi32, #tpu.memory_space<hbm>>
      %dma_wait3A_321 = arith.constant 0 : i32
      %dma_wait3A_322 = tpu.memref_slice %arg10[%run_scoped3A_17, %dma_wait3A_321] : memref<4x128xi32, #tpu.memory_space<vmem>> -> memref<1x128xi32, #tpu.memory_space<vmem>>
      %dma_wait3A_323 = tpu.memref_squeeze %dma_wait3A_322 : memref<1x128xi32, #tpu.memory_space<vmem>> -> memref<128xi32, #tpu.memory_space<vmem>>
      %dma_wait3A_324 = tpu.memref_slice %arg3[%add3A_15] : memref<16384xi32, #tpu.memory_space<hbm>> -> memref<128xi32, #tpu.memory_space<hbm>>
      tpu.wait_dma2 semaphore(%run_scoped3A_308 : memref<!tpu.dma_semaphore, #tpu.memory_space<semaphore_mem>>) src(%dma_wait3A_324 : memref<128xi32, #tpu.memory_space<hbm>>) dst(%dma_wait3A_323 : memref<128xi32, #tpu.memory_space<vmem>>)
      tpu.yield
    }) : () -> ()
    %dma_start3A = arith.constant 0 : i32
    %dma_start3A_18 = arith.constant 0 : i32
    %dma_start3A_19 = arith.constant 0 : i32
    %dma_start3A_20 = tpu.memref_slice %arg11[%dma_start3A_18, %dma_start3A_19] : memref<512x64xf32, #tpu.memory_space<vmem>> -> memref<128x64xf32, #tpu.memory_space<vmem>>
    %dma_start3A_21 = arith.constant 0 : i32
    %dma_start3A_22 = tpu.memref_slice %arg9[%dma_start3A, %dma_start3A_21] : memref<4x128xi32, #tpu.memory_space<vmem>> -> memref<1x128xi32, #tpu.memory_space<vmem>>
    %dma_start3A_23 = tpu.memref_squeeze %dma_start3A_22 : memref<1x128xi32, #tpu.memory_space<vmem>> -> memref<128xi32, #tpu.memory_space<vmem>>
    %dma_start3A_24 = arith.constant 0 : i32
    %dma_start3A_25 = arith.constant 0 : i32
    %dma_start3A_26 = tpu.memref_slice %arg4[%dma_start3A_24, %dma_start3A_25] : memref<100000x64xf32, #tpu.memory_space<hbm>> -> memref<100000x64xf32, #tpu.memory_space<hbm>>
    tpu.enqueue_indirect_dma source(%dma_start3A_26 : memref<100000x64xf32, #tpu.memory_space<hbm>>) target(%dma_start3A_20 : memref<128x64xf32, #tpu.memory_space<vmem>>) offsets(%dma_start3A_23 : memref<128xi32, #tpu.memory_space<vmem>>) semaphore(%arg16 : memref<!tpu.dma_semaphore, #tpu.memory_space<semaphore_mem>>)
    %dma_start3A_27 = arith.constant 0 : i32
    %dma_start3A_28 = arith.constant 0 : i32
    %dma_start3A_29 = arith.constant 0 : i32
    %dma_start3A_30 = tpu.memref_slice %arg12[%dma_start3A_28, %dma_start3A_29] : memref<512x64xf32, #tpu.memory_space<vmem>> -> memref<128x64xf32, #tpu.memory_space<vmem>>
    %dma_start3A_31 = arith.constant 0 : i32
    %dma_start3A_32 = tpu.memref_slice %arg10[%dma_start3A_27, %dma_start3A_31] : memref<4x128xi32, #tpu.memory_space<vmem>> -> memref<1x128xi32, #tpu.memory_space<vmem>>
    %dma_start3A_33 = tpu.memref_squeeze %dma_start3A_32 : memref<1x128xi32, #tpu.memory_space<vmem>> -> memref<128xi32, #tpu.memory_space<vmem>>
    %dma_start3A_34 = arith.constant 0 : i32
    %dma_start3A_35 = arith.constant 0 : i32
    %dma_start3A_36 = tpu.memref_slice %arg5[%dma_start3A_34, %dma_start3A_35] : memref<1000000x64xf32, #tpu.memory_space<hbm>> -> memref<1000000x64xf32, #tpu.memory_space<hbm>>
    tpu.enqueue_indirect_dma source(%dma_start3A_36 : memref<1000000x64xf32, #tpu.memory_space<hbm>>) target(%dma_start3A_30 : memref<128x64xf32, #tpu.memory_space<vmem>>) offsets(%dma_start3A_33 : memref<128xi32, #tpu.memory_space<vmem>>) semaphore(%arg16 : memref<!tpu.dma_semaphore, #tpu.memory_space<semaphore_mem>>)
    %dma_start3A_37 = arith.constant 0 : i32
    %dma_start3A_38 = arith.constant 0 : i32
    %dma_start3A_39 = tpu.memref_slice %arg13[%dma_start3A_38] : memref<512xf32, #tpu.memory_space<vmem>> -> memref<128xf32, #tpu.memory_space<vmem>>
    %dma_start3A_40 = arith.constant 0 : i32
    %dma_start3A_41 = tpu.memref_slice %arg9[%dma_start3A_37, %dma_start3A_40] : memref<4x128xi32, #tpu.memory_space<vmem>> -> memref<1x128xi32, #tpu.memory_space<vmem>>
    %dma_start3A_42 = tpu.memref_squeeze %dma_start3A_41 : memref<1x128xi32, #tpu.memory_space<vmem>> -> memref<128xi32, #tpu.memory_space<vmem>>
    %dma_start3A_43 = arith.constant 0 : i32
    %dma_start3A_44 = tpu.memref_slice %arg6[%dma_start3A_43] : memref<100000xf32, #tpu.memory_space<hbm>> -> memref<100000xf32, #tpu.memory_space<hbm>>
    tpu.enqueue_indirect_dma source(%dma_start3A_44 : memref<100000xf32, #tpu.memory_space<hbm>>) target(%dma_start3A_39 : memref<128xf32, #tpu.memory_space<vmem>>) offsets(%dma_start3A_42 : memref<128xi32, #tpu.memory_space<vmem>>) semaphore(%arg16 : memref<!tpu.dma_semaphore, #tpu.memory_space<semaphore_mem>>)
    %dma_start3A_45 = arith.constant 0 : i32
    %dma_start3A_46 = arith.constant 0 : i32
    %dma_start3A_47 = tpu.memref_slice %arg14[%dma_start3A_46] : memref<512xf32, #tpu.memory_space<vmem>> -> memref<128xf32, #tpu.memory_space<vmem>>
    %dma_start3A_48 = arith.constant 0 : i32
    %dma_start3A_49 = tpu.memref_slice %arg10[%dma_start3A_45, %dma_start3A_48] : memref<4x128xi32, #tpu.memory_space<vmem>> -> memref<1x128xi32, #tpu.memory_space<vmem>>
    %dma_start3A_50 = tpu.memref_squeeze %dma_start3A_49 : memref<1x128xi32, #tpu.memory_space<vmem>> -> memref<128xi32, #tpu.memory_space<vmem>>
    %dma_start3A_51 = arith.constant 0 : i32
    %dma_start3A_52 = tpu.memref_slice %arg7[%dma_start3A_51] : memref<1000000xf32, #tpu.memory_space<hbm>> -> memref<1000000xf32, #tpu.memory_space<hbm>>
    tpu.enqueue_indirect_dma source(%dma_start3A_52 : memref<1000000xf32, #tpu.memory_space<hbm>>) target(%dma_start3A_47 : memref<128xf32, #tpu.memory_space<vmem>>) offsets(%dma_start3A_50 : memref<128xi32, #tpu.memory_space<vmem>>) semaphore(%arg16 : memref<!tpu.dma_semaphore, #tpu.memory_space<semaphore_mem>>)
    %dma_start3A_53 = arith.constant 1 : i32
    %dma_start3A_54 = arith.constant 128 : i32
    %dma_start3A_55 = arith.constant 0 : i32
    %dma_start3A_56 = tpu.memref_slice %arg11[%dma_start3A_54, %dma_start3A_55] : memref<512x64xf32, #tpu.memory_space<vmem>> -> memref<128x64xf32, #tpu.memory_space<vmem>>
    %dma_start3A_57 = arith.constant 0 : i32
    %dma_start3A_58 = tpu.memref_slice %arg9[%dma_start3A_53, %dma_start3A_57] : memref<4x128xi32, #tpu.memory_space<vmem>> -> memref<1x128xi32, #tpu.memory_space<vmem>>
    %dma_start3A_59 = tpu.memref_squeeze %dma_start3A_58 : memref<1x128xi32, #tpu.memory_space<vmem>> -> memref<128xi32, #tpu.memory_space<vmem>>
    %dma_start3A_60 = arith.constant 0 : i32
    %dma_start3A_61 = arith.constant 0 : i32
    %dma_start3A_62 = tpu.memref_slice %arg4[%dma_start3A_60, %dma_start3A_61] : memref<100000x64xf32, #tpu.memory_space<hbm>> -> memref<100000x64xf32, #tpu.memory_space<hbm>>
    tpu.enqueue_indirect_dma source(%dma_start3A_62 : memref<100000x64xf32, #tpu.memory_space<hbm>>) target(%dma_start3A_56 : memref<128x64xf32, #tpu.memory_space<vmem>>) offsets(%dma_start3A_59 : memref<128xi32, #tpu.memory_space<vmem>>) semaphore(%arg16 : memref<!tpu.dma_semaphore, #tpu.memory_space<semaphore_mem>>)
    %dma_start3A_63 = arith.constant 1 : i32
    %dma_start3A_64 = arith.constant 128 : i32
    %dma_start3A_65 = arith.constant 0 : i32
    %dma_start3A_66 = tpu.memref_slice %arg12[%dma_start3A_64, %dma_start3A_65] : memref<512x64xf32, #tpu.memory_space<vmem>> -> memref<128x64xf32, #tpu.memory_space<vmem>>
    %dma_start3A_67 = arith.constant 0 : i32
    %dma_start3A_68 = tpu.memref_slice %arg10[%dma_start3A_63, %dma_start3A_67] : memref<4x128xi32, #tpu.memory_space<vmem>> -> memref<1x128xi32, #tpu.memory_space<vmem>>
    %dma_start3A_69 = tpu.memref_squeeze %dma_start3A_68 : memref<1x128xi32, #tpu.memory_space<vmem>> -> memref<128xi32, #tpu.memory_space<vmem>>
    %dma_start3A_70 = arith.constant 0 : i32
    %dma_start3A_71 = arith.constant 0 : i32
    %dma_start3A_72 = tpu.memref_slice %arg5[%dma_start3A_70, %dma_start3A_71] : memref<1000000x64xf32, #tpu.memory_space<hbm>> -> memref<1000000x64xf32, #tpu.memory_space<hbm>>
    tpu.enqueue_indirect_dma source(%dma_start3A_72 : memref<1000000x64xf32, #tpu.memory_space<hbm>>) target(%dma_start3A_66 : memref<128x64xf32, #tpu.memory_space<vmem>>) offsets(%dma_start3A_69 : memref<128xi32, #tpu.memory_space<vmem>>) semaphore(%arg16 : memref<!tpu.dma_semaphore, #tpu.memory_space<semaphore_mem>>)
    %dma_start3A_73 = arith.constant 1 : i32
    %dma_start3A_74 = arith.constant 128 : i32
    %dma_start3A_75 = tpu.memref_slice %arg13[%dma_start3A_74] : memref<512xf32, #tpu.memory_space<vmem>> -> memref<128xf32, #tpu.memory_space<vmem>>
    %dma_start3A_76 = arith.constant 0 : i32
    %dma_start3A_77 = tpu.memref_slice %arg9[%dma_start3A_73, %dma_start3A_76] : memref<4x128xi32, #tpu.memory_space<vmem>> -> memref<1x128xi32, #tpu.memory_space<vmem>>
    %dma_start3A_78 = tpu.memref_squeeze %dma_start3A_77 : memref<1x128xi32, #tpu.memory_space<vmem>> -> memref<128xi32, #tpu.memory_space<vmem>>
    %dma_start3A_79 = arith.constant 0 : i32
    %dma_start3A_80 = tpu.memref_slice %arg6[%dma_start3A_79] : memref<100000xf32, #tpu.memory_space<hbm>> -> memref<100000xf32, #tpu.memory_space<hbm>>
    tpu.enqueue_indirect_dma source(%dma_start3A_80 : memref<100000xf32, #tpu.memory_space<hbm>>) target(%dma_start3A_75 : memref<128xf32, #tpu.memory_space<vmem>>) offsets(%dma_start3A_78 : memref<128xi32, #tpu.memory_space<vmem>>) semaphore(%arg16 : memref<!tpu.dma_semaphore, #tpu.memory_space<semaphore_mem>>)
    %dma_start3A_81 = arith.constant 1 : i32
    %dma_start3A_82 = arith.constant 128 : i32
    %dma_start3A_83 = tpu.memref_slice %arg14[%dma_start3A_82] : memref<512xf32, #tpu.memory_space<vmem>> -> memref<128xf32, #tpu.memory_space<vmem>>
    %dma_start3A_84 = arith.constant 0 : i32
    %dma_start3A_85 = tpu.memref_slice %arg10[%dma_start3A_81, %dma_start3A_84] : memref<4x128xi32, #tpu.memory_space<vmem>> -> memref<1x128xi32, #tpu.memory_space<vmem>>
    %dma_start3A_86 = tpu.memref_squeeze %dma_start3A_85 : memref<1x128xi32, #tpu.memory_space<vmem>> -> memref<128xi32, #tpu.memory_space<vmem>>
    %dma_start3A_87 = arith.constant 0 : i32
    %dma_start3A_88 = tpu.memref_slice %arg7[%dma_start3A_87] : memref<1000000xf32, #tpu.memory_space<hbm>> -> memref<1000000xf32, #tpu.memory_space<hbm>>
    tpu.enqueue_indirect_dma source(%dma_start3A_88 : memref<1000000xf32, #tpu.memory_space<hbm>>) target(%dma_start3A_83 : memref<128xf32, #tpu.memory_space<vmem>>) offsets(%dma_start3A_86 : memref<128xi32, #tpu.memory_space<vmem>>) semaphore(%arg16 : memref<!tpu.dma_semaphore, #tpu.memory_space<semaphore_mem>>)
    %dma_start3A_89 = arith.constant 2 : i32
    %dma_start3A_90 = arith.constant 256 : i32
    %dma_start3A_91 = arith.constant 0 : i32
    %dma_start3A_92 = tpu.memref_slice %arg11[%dma_start3A_90, %dma_start3A_91] : memref<512x64xf32, #tpu.memory_space<vmem>> -> memref<128x64xf32, #tpu.memory_space<vmem>>
    %dma_start3A_93 = arith.constant 0 : i32
    %dma_start3A_94 = tpu.memref_slice %arg9[%dma_start3A_89, %dma_start3A_93] : memref<4x128xi32, #tpu.memory_space<vmem>> -> memref<1x128xi32, #tpu.memory_space<vmem>>
    %dma_start3A_95 = tpu.memref_squeeze %dma_start3A_94 : memref<1x128xi32, #tpu.memory_space<vmem>> -> memref<128xi32, #tpu.memory_space<vmem>>
    %dma_start3A_96 = arith.constant 0 : i32
    %dma_start3A_97 = arith.constant 0 : i32
    %dma_start3A_98 = tpu.memref_slice %arg4[%dma_start3A_96, %dma_start3A_97] : memref<100000x64xf32, #tpu.memory_space<hbm>> -> memref<100000x64xf32, #tpu.memory_space<hbm>>
    tpu.enqueue_indirect_dma source(%dma_start3A_98 : memref<100000x64xf32, #tpu.memory_space<hbm>>) target(%dma_start3A_92 : memref<128x64xf32, #tpu.memory_space<vmem>>) offsets(%dma_start3A_95 : memref<128xi32, #tpu.memory_space<vmem>>) semaphore(%arg16 : memref<!tpu.dma_semaphore, #tpu.memory_space<semaphore_mem>>)
    %dma_start3A_99 = arith.constant 2 : i32
    %dma_start3A_100 = arith.constant 256 : i32
    %dma_start3A_101 = arith.constant 0 : i32
    %dma_start3A_102 = tpu.memref_slice %arg12[%dma_start3A_100, %dma_start3A_101] : memref<512x64xf32, #tpu.memory_space<vmem>> -> memref<128x64xf32, #tpu.memory_space<vmem>>
    %dma_start3A_103 = arith.constant 0 : i32
    %dma_start3A_104 = tpu.memref_slice %arg10[%dma_start3A_99, %dma_start3A_103] : memref<4x128xi32, #tpu.memory_space<vmem>> -> memref<1x128xi32, #tpu.memory_space<vmem>>
    %dma_start3A_105 = tpu.memref_squeeze %dma_start3A_104 : memref<1x128xi32, #tpu.memory_space<vmem>> -> memref<128xi32, #tpu.memory_space<vmem>>
    %dma_start3A_106 = arith.constant 0 : i32
    %dma_start3A_107 = arith.constant 0 : i32
    %dma_start3A_108 = tpu.memref_slice %arg5[%dma_start3A_106, %dma_start3A_107] : memref<1000000x64xf32, #tpu.memory_space<hbm>> -> memref<1000000x64xf32, #tpu.memory_space<hbm>>
    tpu.enqueue_indirect_dma source(%dma_start3A_108 : memref<1000000x64xf32, #tpu.memory_space<hbm>>) target(%dma_start3A_102 : memref<128x64xf32, #tpu.memory_space<vmem>>) offsets(%dma_start3A_105 : memref<128xi32, #tpu.memory_space<vmem>>) semaphore(%arg16 : memref<!tpu.dma_semaphore, #tpu.memory_space<semaphore_mem>>)
    %dma_start3A_109 = arith.constant 2 : i32
    %dma_start3A_110 = arith.constant 256 : i32
    %dma_start3A_111 = tpu.memref_slice %arg13[%dma_start3A_110] : memref<512xf32, #tpu.memory_space<vmem>> -> memref<128xf32, #tpu.memory_space<vmem>>
    %dma_start3A_112 = arith.constant 0 : i32
    %dma_start3A_113 = tpu.memref_slice %arg9[%dma_start3A_109, %dma_start3A_112] : memref<4x128xi32, #tpu.memory_space<vmem>> -> memref<1x128xi32, #tpu.memory_space<vmem>>
    %dma_start3A_114 = tpu.memref_squeeze %dma_start3A_113 : memref<1x128xi32, #tpu.memory_space<vmem>> -> memref<128xi32, #tpu.memory_space<vmem>>
    %dma_start3A_115 = arith.constant 0 : i32
    %dma_start3A_116 = tpu.memref_slice %arg6[%dma_start3A_115] : memref<100000xf32, #tpu.memory_space<hbm>> -> memref<100000xf32, #tpu.memory_space<hbm>>
    tpu.enqueue_indirect_dma source(%dma_start3A_116 : memref<100000xf32, #tpu.memory_space<hbm>>) target(%dma_start3A_111 : memref<128xf32, #tpu.memory_space<vmem>>) offsets(%dma_start3A_114 : memref<128xi32, #tpu.memory_space<vmem>>) semaphore(%arg16 : memref<!tpu.dma_semaphore, #tpu.memory_space<semaphore_mem>>)
    %dma_start3A_117 = arith.constant 2 : i32
    %dma_start3A_118 = arith.constant 256 : i32
    %dma_start3A_119 = tpu.memref_slice %arg14[%dma_start3A_118] : memref<512xf32, #tpu.memory_space<vmem>> -> memref<128xf32, #tpu.memory_space<vmem>>
    %dma_start3A_120 = arith.constant 0 : i32
    %dma_start3A_121 = tpu.memref_slice %arg10[%dma_start3A_117, %dma_start3A_120] : memref<4x128xi32, #tpu.memory_space<vmem>> -> memref<1x128xi32, #tpu.memory_space<vmem>>
    %dma_start3A_122 = tpu.memref_squeeze %dma_start3A_121 : memref<1x128xi32, #tpu.memory_space<vmem>> -> memref<128xi32, #tpu.memory_space<vmem>>
    %dma_start3A_123 = arith.constant 0 : i32
    %dma_start3A_124 = tpu.memref_slice %arg7[%dma_start3A_123] : memref<1000000xf32, #tpu.memory_space<hbm>> -> memref<1000000xf32, #tpu.memory_space<hbm>>
    tpu.enqueue_indirect_dma source(%dma_start3A_124 : memref<1000000xf32, #tpu.memory_space<hbm>>) target(%dma_start3A_119 : memref<128xf32, #tpu.memory_space<vmem>>) offsets(%dma_start3A_122 : memref<128xi32, #tpu.memory_space<vmem>>) semaphore(%arg16 : memref<!tpu.dma_semaphore, #tpu.memory_space<semaphore_mem>>)
    %dma_start3A_125 = arith.constant 3 : i32
    %dma_start3A_126 = arith.constant 384 : i32
    %dma_start3A_127 = arith.constant 0 : i32
    %dma_start3A_128 = tpu.memref_slice %arg11[%dma_start3A_126, %dma_start3A_127] : memref<512x64xf32, #tpu.memory_space<vmem>> -> memref<128x64xf32, #tpu.memory_space<vmem>>
    %dma_start3A_129 = arith.constant 0 : i32
    %dma_start3A_130 = tpu.memref_slice %arg9[%dma_start3A_125, %dma_start3A_129] : memref<4x128xi32, #tpu.memory_space<vmem>> -> memref<1x128xi32, #tpu.memory_space<vmem>>
    %dma_start3A_131 = tpu.memref_squeeze %dma_start3A_130 : memref<1x128xi32, #tpu.memory_space<vmem>> -> memref<128xi32, #tpu.memory_space<vmem>>
    %dma_start3A_132 = arith.constant 0 : i32
    %dma_start3A_133 = arith.constant 0 : i32
    %dma_start3A_134 = tpu.memref_slice %arg4[%dma_start3A_132, %dma_start3A_133] : memref<100000x64xf32, #tpu.memory_space<hbm>> -> memref<100000x64xf32, #tpu.memory_space<hbm>>
    tpu.enqueue_indirect_dma source(%dma_start3A_134 : memref<100000x64xf32, #tpu.memory_space<hbm>>) target(%dma_start3A_128 : memref<128x64xf32, #tpu.memory_space<vmem>>) offsets(%dma_start3A_131 : memref<128xi32, #tpu.memory_space<vmem>>) semaphore(%arg16 : memref<!tpu.dma_semaphore, #tpu.memory_space<semaphore_mem>>)
    %dma_start3A_135 = arith.constant 3 : i32
    %dma_start3A_136 = arith.constant 384 : i32
    %dma_start3A_137 = arith.constant 0 : i32
    %dma_start3A_138 = tpu.memref_slice %arg12[%dma_start3A_136, %dma_start3A_137] : memref<512x64xf32, #tpu.memory_space<vmem>> -> memref<128x64xf32, #tpu.memory_space<vmem>>
    %dma_start3A_139 = arith.constant 0 : i32
    %dma_start3A_140 = tpu.memref_slice %arg10[%dma_start3A_135, %dma_start3A_139] : memref<4x128xi32, #tpu.memory_space<vmem>> -> memref<1x128xi32, #tpu.memory_space<vmem>>
    %dma_start3A_141 = tpu.memref_squeeze %dma_start3A_140 : memref<1x128xi32, #tpu.memory_space<vmem>> -> memref<128xi32, #tpu.memory_space<vmem>>
    %dma_start3A_142 = arith.constant 0 : i32
    %dma_start3A_143 = arith.constant 0 : i32
    %dma_start3A_144 = tpu.memref_slice %arg5[%dma_start3A_142, %dma_start3A_143] : memref<1000000x64xf32, #tpu.memory_space<hbm>> -> memref<1000000x64xf32, #tpu.memory_space<hbm>>
    tpu.enqueue_indirect_dma source(%dma_start3A_144 : memref<1000000x64xf32, #tpu.memory_space<hbm>>) target(%dma_start3A_138 : memref<128x64xf32, #tpu.memory_space<vmem>>) offsets(%dma_start3A_141 : memref<128xi32, #tpu.memory_space<vmem>>) semaphore(%arg16 : memref<!tpu.dma_semaphore, #tpu.memory_space<semaphore_mem>>)
    %dma_start3A_145 = arith.constant 3 : i32
    %dma_start3A_146 = arith.constant 384 : i32
    %dma_start3A_147 = tpu.memref_slice %arg13[%dma_start3A_146] : memref<512xf32, #tpu.memory_space<vmem>> -> memref<128xf32, #tpu.memory_space<vmem>>
    %dma_start3A_148 = arith.constant 0 : i32
    %dma_start3A_149 = tpu.memref_slice %arg9[%dma_start3A_145, %dma_start3A_148] : memref<4x128xi32, #tpu.memory_space<vmem>> -> memref<1x128xi32, #tpu.memory_space<vmem>>
    %dma_start3A_150 = tpu.memref_squeeze %dma_start3A_149 : memref<1x128xi32, #tpu.memory_space<vmem>> -> memref<128xi32, #tpu.memory_space<vmem>>
    %dma_start3A_151 = arith.constant 0 : i32
    %dma_start3A_152 = tpu.memref_slice %arg6[%dma_start3A_151] : memref<100000xf32, #tpu.memory_space<hbm>> -> memref<100000xf32, #tpu.memory_space<hbm>>
    tpu.enqueue_indirect_dma source(%dma_start3A_152 : memref<100000xf32, #tpu.memory_space<hbm>>) target(%dma_start3A_147 : memref<128xf32, #tpu.memory_space<vmem>>) offsets(%dma_start3A_150 : memref<128xi32, #tpu.memory_space<vmem>>) semaphore(%arg16 : memref<!tpu.dma_semaphore, #tpu.memory_space<semaphore_mem>>)
    %dma_start3A_153 = arith.constant 3 : i32
    %dma_start3A_154 = arith.constant 384 : i32
    %dma_start3A_155 = tpu.memref_slice %arg14[%dma_start3A_154] : memref<512xf32, #tpu.memory_space<vmem>> -> memref<128xf32, #tpu.memory_space<vmem>>
    %dma_start3A_156 = arith.constant 0 : i32
    %dma_start3A_157 = tpu.memref_slice %arg10[%dma_start3A_153, %dma_start3A_156] : memref<4x128xi32, #tpu.memory_space<vmem>> -> memref<1x128xi32, #tpu.memory_space<vmem>>
    %dma_start3A_158 = tpu.memref_squeeze %dma_start3A_157 : memref<1x128xi32, #tpu.memory_space<vmem>> -> memref<128xi32, #tpu.memory_space<vmem>>
    %dma_start3A_159 = arith.constant 0 : i32
    %dma_start3A_160 = tpu.memref_slice %arg7[%dma_start3A_159] : memref<1000000xf32, #tpu.memory_space<hbm>> -> memref<1000000xf32, #tpu.memory_space<hbm>>
    tpu.enqueue_indirect_dma source(%dma_start3A_160 : memref<1000000xf32, #tpu.memory_space<hbm>>) target(%dma_start3A_155 : memref<128xf32, #tpu.memory_space<vmem>>) offsets(%dma_start3A_158 : memref<128xi32, #tpu.memory_space<vmem>>) semaphore(%arg16 : memref<!tpu.dma_semaphore, #tpu.memory_space<semaphore_mem>>)
    %dma_wait3A = arith.constant 0 : i32
    %dma_wait3A_161 = arith.constant 0 : i32
    %dma_wait3A_162 = arith.constant 0 : i32
    %dma_wait3A_163 = tpu.memref_slice %arg11[%dma_wait3A_161, %dma_wait3A_162] : memref<512x64xf32, #tpu.memory_space<vmem>> -> memref<128x64xf32, #tpu.memory_space<vmem>>
    %dma_wait3A_164 = arith.constant 0 : i32
    %dma_wait3A_165 = tpu.memref_slice %arg9[%dma_wait3A, %dma_wait3A_164] : memref<4x128xi32, #tpu.memory_space<vmem>> -> memref<1x128xi32, #tpu.memory_space<vmem>>
    %dma_wait3A_166 = tpu.memref_squeeze %dma_wait3A_165 : memref<1x128xi32, #tpu.memory_space<vmem>> -> memref<128xi32, #tpu.memory_space<vmem>>
    %dma_wait3A_167 = arith.constant 0 : i32
    %dma_wait3A_168 = arith.constant 0 : i32
    %dma_wait3A_169 = tpu.memref_slice %arg4[%dma_wait3A_167, %dma_wait3A_168] : memref<100000x64xf32, #tpu.memory_space<hbm>> -> memref<100000x64xf32, #tpu.memory_space<hbm>>
    tpu.wait_indirect_dma semaphore(%arg16 : memref<!tpu.dma_semaphore, #tpu.memory_space<semaphore_mem>>) src(%dma_wait3A_169 : memref<100000x64xf32, #tpu.memory_space<hbm>>) dst(%dma_wait3A_163 : memref<128x64xf32, #tpu.memory_space<vmem>>)
    %dma_wait3A_170 = arith.constant 0 : i32
    %dma_wait3A_171 = arith.constant 0 : i32
    %dma_wait3A_172 = arith.constant 0 : i32
    %dma_wait3A_173 = tpu.memref_slice %arg12[%dma_wait3A_171, %dma_wait3A_172] : memref<512x64xf32, #tpu.memory_space<vmem>> -> memref<128x64xf32, #tpu.memory_space<vmem>>
    %dma_wait3A_174 = arith.constant 0 : i32
    %dma_wait3A_175 = tpu.memref_slice %arg10[%dma_wait3A_170, %dma_wait3A_174] : memref<4x128xi32, #tpu.memory_space<vmem>> -> memref<1x128xi32, #tpu.memory_space<vmem>>
    %dma_wait3A_176 = tpu.memref_squeeze %dma_wait3A_175 : memref<1x128xi32, #tpu.memory_space<vmem>> -> memref<128xi32, #tpu.memory_space<vmem>>
    %dma_wait3A_177 = arith.constant 0 : i32
    %dma_wait3A_178 = arith.constant 0 : i32
    %dma_wait3A_179 = tpu.memref_slice %arg5[%dma_wait3A_177, %dma_wait3A_178] : memref<1000000x64xf32, #tpu.memory_space<hbm>> -> memref<1000000x64xf32, #tpu.memory_space<hbm>>
    tpu.wait_indirect_dma semaphore(%arg16 : memref<!tpu.dma_semaphore, #tpu.memory_space<semaphore_mem>>) src(%dma_wait3A_179 : memref<1000000x64xf32, #tpu.memory_space<hbm>>) dst(%dma_wait3A_173 : memref<128x64xf32, #tpu.memory_space<vmem>>)
    %dma_wait3A_180 = arith.constant 0 : i32
    %dma_wait3A_181 = arith.constant 0 : i32
    %dma_wait3A_182 = tpu.memref_slice %arg13[%dma_wait3A_181] : memref<512xf32, #tpu.memory_space<vmem>> -> memref<128xf32, #tpu.memory_space<vmem>>
    %dma_wait3A_183 = arith.constant 0 : i32
    %dma_wait3A_184 = tpu.memref_slice %arg9[%dma_wait3A_180, %dma_wait3A_183] : memref<4x128xi32, #tpu.memory_space<vmem>> -> memref<1x128xi32, #tpu.memory_space<vmem>>
    %dma_wait3A_185 = tpu.memref_squeeze %dma_wait3A_184 : memref<1x128xi32, #tpu.memory_space<vmem>> -> memref<128xi32, #tpu.memory_space<vmem>>
    %dma_wait3A_186 = arith.constant 0 : i32
    %dma_wait3A_187 = tpu.memref_slice %arg6[%dma_wait3A_186] : memref<100000xf32, #tpu.memory_space<hbm>> -> memref<100000xf32, #tpu.memory_space<hbm>>
    tpu.wait_indirect_dma semaphore(%arg16 : memref<!tpu.dma_semaphore, #tpu.memory_space<semaphore_mem>>) src(%dma_wait3A_187 : memref<100000xf32, #tpu.memory_space<hbm>>) dst(%dma_wait3A_182 : memref<128xf32, #tpu.memory_space<vmem>>)
    %dma_wait3A_188 = arith.constant 0 : i32
    %dma_wait3A_189 = arith.constant 0 : i32
    %dma_wait3A_190 = tpu.memref_slice %arg14[%dma_wait3A_189] : memref<512xf32, #tpu.memory_space<vmem>> -> memref<128xf32, #tpu.memory_space<vmem>>
    %dma_wait3A_191 = arith.constant 0 : i32
    %dma_wait3A_192 = tpu.memref_slice %arg10[%dma_wait3A_188, %dma_wait3A_191] : memref<4x128xi32, #tpu.memory_space<vmem>> -> memref<1x128xi32, #tpu.memory_space<vmem>>
    %dma_wait3A_193 = tpu.memref_squeeze %dma_wait3A_192 : memref<1x128xi32, #tpu.memory_space<vmem>> -> memref<128xi32, #tpu.memory_space<vmem>>
    %dma_wait3A_194 = arith.constant 0 : i32
    %dma_wait3A_195 = tpu.memref_slice %arg7[%dma_wait3A_194] : memref<1000000xf32, #tpu.memory_space<hbm>> -> memref<1000000xf32, #tpu.memory_space<hbm>>
    tpu.wait_indirect_dma semaphore(%arg16 : memref<!tpu.dma_semaphore, #tpu.memory_space<semaphore_mem>>) src(%dma_wait3A_195 : memref<1000000xf32, #tpu.memory_space<hbm>>) dst(%dma_wait3A_190 : memref<128xf32, #tpu.memory_space<vmem>>)
    %dma_wait3A_196 = arith.constant 1 : i32
    %dma_wait3A_197 = arith.constant 128 : i32
    %dma_wait3A_198 = arith.constant 0 : i32
    %dma_wait3A_199 = tpu.memref_slice %arg11[%dma_wait3A_197, %dma_wait3A_198] : memref<512x64xf32, #tpu.memory_space<vmem>> -> memref<128x64xf32, #tpu.memory_space<vmem>>
    %dma_wait3A_200 = arith.constant 0 : i32
    %dma_wait3A_201 = tpu.memref_slice %arg9[%dma_wait3A_196, %dma_wait3A_200] : memref<4x128xi32, #tpu.memory_space<vmem>> -> memref<1x128xi32, #tpu.memory_space<vmem>>
    %dma_wait3A_202 = tpu.memref_squeeze %dma_wait3A_201 : memref<1x128xi32, #tpu.memory_space<vmem>> -> memref<128xi32, #tpu.memory_space<vmem>>
    %dma_wait3A_203 = arith.constant 0 : i32
    %dma_wait3A_204 = arith.constant 0 : i32
    %dma_wait3A_205 = tpu.memref_slice %arg4[%dma_wait3A_203, %dma_wait3A_204] : memref<100000x64xf32, #tpu.memory_space<hbm>> -> memref<100000x64xf32, #tpu.memory_space<hbm>>
    tpu.wait_indirect_dma semaphore(%arg16 : memref<!tpu.dma_semaphore, #tpu.memory_space<semaphore_mem>>) src(%dma_wait3A_205 : memref<100000x64xf32, #tpu.memory_space<hbm>>) dst(%dma_wait3A_199 : memref<128x64xf32, #tpu.memory_space<vmem>>)
    %dma_wait3A_206 = arith.constant 1 : i32
    %dma_wait3A_207 = arith.constant 128 : i32
    %dma_wait3A_208 = arith.constant 0 : i32
    %dma_wait3A_209 = tpu.memref_slice %arg12[%dma_wait3A_207, %dma_wait3A_208] : memref<512x64xf32, #tpu.memory_space<vmem>> -> memref<128x64xf32, #tpu.memory_space<vmem>>
    %dma_wait3A_210 = arith.constant 0 : i32
    %dma_wait3A_211 = tpu.memref_slice %arg10[%dma_wait3A_206, %dma_wait3A_210] : memref<4x128xi32, #tpu.memory_space<vmem>> -> memref<1x128xi32, #tpu.memory_space<vmem>>
    %dma_wait3A_212 = tpu.memref_squeeze %dma_wait3A_211 : memref<1x128xi32, #tpu.memory_space<vmem>> -> memref<128xi32, #tpu.memory_space<vmem>>
    %dma_wait3A_213 = arith.constant 0 : i32
    %dma_wait3A_214 = arith.constant 0 : i32
    %dma_wait3A_215 = tpu.memref_slice %arg5[%dma_wait3A_213, %dma_wait3A_214] : memref<1000000x64xf32, #tpu.memory_space<hbm>> -> memref<1000000x64xf32, #tpu.memory_space<hbm>>
    tpu.wait_indirect_dma semaphore(%arg16 : memref<!tpu.dma_semaphore, #tpu.memory_space<semaphore_mem>>) src(%dma_wait3A_215 : memref<1000000x64xf32, #tpu.memory_space<hbm>>) dst(%dma_wait3A_209 : memref<128x64xf32, #tpu.memory_space<vmem>>)
    %dma_wait3A_216 = arith.constant 1 : i32
    %dma_wait3A_217 = arith.constant 128 : i32
    %dma_wait3A_218 = tpu.memref_slice %arg13[%dma_wait3A_217] : memref<512xf32, #tpu.memory_space<vmem>> -> memref<128xf32, #tpu.memory_space<vmem>>
    %dma_wait3A_219 = arith.constant 0 : i32
    %dma_wait3A_220 = tpu.memref_slice %arg9[%dma_wait3A_216, %dma_wait3A_219] : memref<4x128xi32, #tpu.memory_space<vmem>> -> memref<1x128xi32, #tpu.memory_space<vmem>>
    %dma_wait3A_221 = tpu.memref_squeeze %dma_wait3A_220 : memref<1x128xi32, #tpu.memory_space<vmem>> -> memref<128xi32, #tpu.memory_space<vmem>>
    %dma_wait3A_222 = arith.constant 0 : i32
    %dma_wait3A_223 = tpu.memref_slice %arg6[%dma_wait3A_222] : memref<100000xf32, #tpu.memory_space<hbm>> -> memref<100000xf32, #tpu.memory_space<hbm>>
    tpu.wait_indirect_dma semaphore(%arg16 : memref<!tpu.dma_semaphore, #tpu.memory_space<semaphore_mem>>) src(%dma_wait3A_223 : memref<100000xf32, #tpu.memory_space<hbm>>) dst(%dma_wait3A_218 : memref<128xf32, #tpu.memory_space<vmem>>)
    %dma_wait3A_224 = arith.constant 1 : i32
    %dma_wait3A_225 = arith.constant 128 : i32
    %dma_wait3A_226 = tpu.memref_slice %arg14[%dma_wait3A_225] : memref<512xf32, #tpu.memory_space<vmem>> -> memref<128xf32, #tpu.memory_space<vmem>>
    %dma_wait3A_227 = arith.constant 0 : i32
    %dma_wait3A_228 = tpu.memref_slice %arg10[%dma_wait3A_224, %dma_wait3A_227] : memref<4x128xi32, #tpu.memory_space<vmem>> -> memref<1x128xi32, #tpu.memory_space<vmem>>
    %dma_wait3A_229 = tpu.memref_squeeze %dma_wait3A_228 : memref<1x128xi32, #tpu.memory_space<vmem>> -> memref<128xi32, #tpu.memory_space<vmem>>
    %dma_wait3A_230 = arith.constant 0 : i32
    %dma_wait3A_231 = tpu.memref_slice %arg7[%dma_wait3A_230] : memref<1000000xf32, #tpu.memory_space<hbm>> -> memref<1000000xf32, #tpu.memory_space<hbm>>
    tpu.wait_indirect_dma semaphore(%arg16 : memref<!tpu.dma_semaphore, #tpu.memory_space<semaphore_mem>>) src(%dma_wait3A_231 : memref<1000000xf32, #tpu.memory_space<hbm>>) dst(%dma_wait3A_226 : memref<128xf32, #tpu.memory_space<vmem>>)
    %dma_wait3A_232 = arith.constant 2 : i32
    %dma_wait3A_233 = arith.constant 256 : i32
    %dma_wait3A_234 = arith.constant 0 : i32
    %dma_wait3A_235 = tpu.memref_slice %arg11[%dma_wait3A_233, %dma_wait3A_234] : memref<512x64xf32, #tpu.memory_space<vmem>> -> memref<128x64xf32, #tpu.memory_space<vmem>>
    %dma_wait3A_236 = arith.constant 0 : i32
    %dma_wait3A_237 = tpu.memref_slice %arg9[%dma_wait3A_232, %dma_wait3A_236] : memref<4x128xi32, #tpu.memory_space<vmem>> -> memref<1x128xi32, #tpu.memory_space<vmem>>
    %dma_wait3A_238 = tpu.memref_squeeze %dma_wait3A_237 : memref<1x128xi32, #tpu.memory_space<vmem>> -> memref<128xi32, #tpu.memory_space<vmem>>
    %dma_wait3A_239 = arith.constant 0 : i32
    %dma_wait3A_240 = arith.constant 0 : i32
    %dma_wait3A_241 = tpu.memref_slice %arg4[%dma_wait3A_239, %dma_wait3A_240] : memref<100000x64xf32, #tpu.memory_space<hbm>> -> memref<100000x64xf32, #tpu.memory_space<hbm>>
    tpu.wait_indirect_dma semaphore(%arg16 : memref<!tpu.dma_semaphore, #tpu.memory_space<semaphore_mem>>) src(%dma_wait3A_241 : memref<100000x64xf32, #tpu.memory_space<hbm>>) dst(%dma_wait3A_235 : memref<128x64xf32, #tpu.memory_space<vmem>>)
    %dma_wait3A_242 = arith.constant 2 : i32
    %dma_wait3A_243 = arith.constant 256 : i32
    %dma_wait3A_244 = arith.constant 0 : i32
    %dma_wait3A_245 = tpu.memref_slice %arg12[%dma_wait3A_243, %dma_wait3A_244] : memref<512x64xf32, #tpu.memory_space<vmem>> -> memref<128x64xf32, #tpu.memory_space<vmem>>
    %dma_wait3A_246 = arith.constant 0 : i32
    %dma_wait3A_247 = tpu.memref_slice %arg10[%dma_wait3A_242, %dma_wait3A_246] : memref<4x128xi32, #tpu.memory_space<vmem>> -> memref<1x128xi32, #tpu.memory_space<vmem>>
    %dma_wait3A_248 = tpu.memref_squeeze %dma_wait3A_247 : memref<1x128xi32, #tpu.memory_space<vmem>> -> memref<128xi32, #tpu.memory_space<vmem>>
    %dma_wait3A_249 = arith.constant 0 : i32
    %dma_wait3A_250 = arith.constant 0 : i32
    %dma_wait3A_251 = tpu.memref_slice %arg5[%dma_wait3A_249, %dma_wait3A_250] : memref<1000000x64xf32, #tpu.memory_space<hbm>> -> memref<1000000x64xf32, #tpu.memory_space<hbm>>
    tpu.wait_indirect_dma semaphore(%arg16 : memref<!tpu.dma_semaphore, #tpu.memory_space<semaphore_mem>>) src(%dma_wait3A_251 : memref<1000000x64xf32, #tpu.memory_space<hbm>>) dst(%dma_wait3A_245 : memref<128x64xf32, #tpu.memory_space<vmem>>)
    %dma_wait3A_252 = arith.constant 2 : i32
    %dma_wait3A_253 = arith.constant 256 : i32
    %dma_wait3A_254 = tpu.memref_slice %arg13[%dma_wait3A_253] : memref<512xf32, #tpu.memory_space<vmem>> -> memref<128xf32, #tpu.memory_space<vmem>>
    %dma_wait3A_255 = arith.constant 0 : i32
    %dma_wait3A_256 = tpu.memref_slice %arg9[%dma_wait3A_252, %dma_wait3A_255] : memref<4x128xi32, #tpu.memory_space<vmem>> -> memref<1x128xi32, #tpu.memory_space<vmem>>
    %dma_wait3A_257 = tpu.memref_squeeze %dma_wait3A_256 : memref<1x128xi32, #tpu.memory_space<vmem>> -> memref<128xi32, #tpu.memory_space<vmem>>
    %dma_wait3A_258 = arith.constant 0 : i32
    %dma_wait3A_259 = tpu.memref_slice %arg6[%dma_wait3A_258] : memref<100000xf32, #tpu.memory_space<hbm>> -> memref<100000xf32, #tpu.memory_space<hbm>>
    tpu.wait_indirect_dma semaphore(%arg16 : memref<!tpu.dma_semaphore, #tpu.memory_space<semaphore_mem>>) src(%dma_wait3A_259 : memref<100000xf32, #tpu.memory_space<hbm>>) dst(%dma_wait3A_254 : memref<128xf32, #tpu.memory_space<vmem>>)
    %dma_wait3A_260 = arith.constant 2 : i32
    %dma_wait3A_261 = arith.constant 256 : i32
    %dma_wait3A_262 = tpu.memref_slice %arg14[%dma_wait3A_261] : memref<512xf32, #tpu.memory_space<vmem>> -> memref<128xf32, #tpu.memory_space<vmem>>
    %dma_wait3A_263 = arith.constant 0 : i32
    %dma_wait3A_264 = tpu.memref_slice %arg10[%dma_wait3A_260, %dma_wait3A_263] : memref<4x128xi32, #tpu.memory_space<vmem>> -> memref<1x128xi32, #tpu.memory_space<vmem>>
    %dma_wait3A_265 = tpu.memref_squeeze %dma_wait3A_264 : memref<1x128xi32, #tpu.memory_space<vmem>> -> memref<128xi32, #tpu.memory_space<vmem>>
    %dma_wait3A_266 = arith.constant 0 : i32
    %dma_wait3A_267 = tpu.memref_slice %arg7[%dma_wait3A_266] : memref<1000000xf32, #tpu.memory_space<hbm>> -> memref<1000000xf32, #tpu.memory_space<hbm>>
    tpu.wait_indirect_dma semaphore(%arg16 : memref<!tpu.dma_semaphore, #tpu.memory_space<semaphore_mem>>) src(%dma_wait3A_267 : memref<1000000xf32, #tpu.memory_space<hbm>>) dst(%dma_wait3A_262 : memref<128xf32, #tpu.memory_space<vmem>>)
    %dma_wait3A_268 = arith.constant 3 : i32
    %dma_wait3A_269 = arith.constant 384 : i32
    %dma_wait3A_270 = arith.constant 0 : i32
    %dma_wait3A_271 = tpu.memref_slice %arg11[%dma_wait3A_269, %dma_wait3A_270] : memref<512x64xf32, #tpu.memory_space<vmem>> -> memref<128x64xf32, #tpu.memory_space<vmem>>
    %dma_wait3A_272 = arith.constant 0 : i32
    %dma_wait3A_273 = tpu.memref_slice %arg9[%dma_wait3A_268, %dma_wait3A_272] : memref<4x128xi32, #tpu.memory_space<vmem>> -> memref<1x128xi32, #tpu.memory_space<vmem>>
    %dma_wait3A_274 = tpu.memref_squeeze %dma_wait3A_273 : memref<1x128xi32, #tpu.memory_space<vmem>> -> memref<128xi32, #tpu.memory_space<vmem>>
    %dma_wait3A_275 = arith.constant 0 : i32
    %dma_wait3A_276 = arith.constant 0 : i32
    %dma_wait3A_277 = tpu.memref_slice %arg4[%dma_wait3A_275, %dma_wait3A_276] : memref<100000x64xf32, #tpu.memory_space<hbm>> -> memref<100000x64xf32, #tpu.memory_space<hbm>>
    tpu.wait_indirect_dma semaphore(%arg16 : memref<!tpu.dma_semaphore, #tpu.memory_space<semaphore_mem>>) src(%dma_wait3A_277 : memref<100000x64xf32, #tpu.memory_space<hbm>>) dst(%dma_wait3A_271 : memref<128x64xf32, #tpu.memory_space<vmem>>)
    %dma_wait3A_278 = arith.constant 3 : i32
    %dma_wait3A_279 = arith.constant 384 : i32
    %dma_wait3A_280 = arith.constant 0 : i32
    %dma_wait3A_281 = tpu.memref_slice %arg12[%dma_wait3A_279, %dma_wait3A_280] : memref<512x64xf32, #tpu.memory_space<vmem>> -> memref<128x64xf32, #tpu.memory_space<vmem>>
    %dma_wait3A_282 = arith.constant 0 : i32
    %dma_wait3A_283 = tpu.memref_slice %arg10[%dma_wait3A_278, %dma_wait3A_282] : memref<4x128xi32, #tpu.memory_space<vmem>> -> memref<1x128xi32, #tpu.memory_space<vmem>>
    %dma_wait3A_284 = tpu.memref_squeeze %dma_wait3A_283 : memref<1x128xi32, #tpu.memory_space<vmem>> -> memref<128xi32, #tpu.memory_space<vmem>>
    %dma_wait3A_285 = arith.constant 0 : i32
    %dma_wait3A_286 = arith.constant 0 : i32
    %dma_wait3A_287 = tpu.memref_slice %arg5[%dma_wait3A_285, %dma_wait3A_286] : memref<1000000x64xf32, #tpu.memory_space<hbm>> -> memref<1000000x64xf32, #tpu.memory_space<hbm>>
    tpu.wait_indirect_dma semaphore(%arg16 : memref<!tpu.dma_semaphore, #tpu.memory_space<semaphore_mem>>) src(%dma_wait3A_287 : memref<1000000x64xf32, #tpu.memory_space<hbm>>) dst(%dma_wait3A_281 : memref<128x64xf32, #tpu.memory_space<vmem>>)
    %dma_wait3A_288 = arith.constant 3 : i32
    %dma_wait3A_289 = arith.constant 384 : i32
    %dma_wait3A_290 = tpu.memref_slice %arg13[%dma_wait3A_289] : memref<512xf32, #tpu.memory_space<vmem>> -> memref<128xf32, #tpu.memory_space<vmem>>
    %dma_wait3A_291 = arith.constant 0 : i32
    %dma_wait3A_292 = tpu.memref_slice %arg9[%dma_wait3A_288, %dma_wait3A_291] : memref<4x128xi32, #tpu.memory_space<vmem>> -> memref<1x128xi32, #tpu.memory_space<vmem>>
    %dma_wait3A_293 = tpu.memref_squeeze %dma_wait3A_292 : memref<1x128xi32, #tpu.memory_space<vmem>> -> memref<128xi32, #tpu.memory_space<vmem>>
    %dma_wait3A_294 = arith.constant 0 : i32
    %dma_wait3A_295 = tpu.memref_slice %arg6[%dma_wait3A_294] : memref<100000xf32, #tpu.memory_space<hbm>> -> memref<100000xf32, #tpu.memory_space<hbm>>
    tpu.wait_indirect_dma semaphore(%arg16 : memref<!tpu.dma_semaphore, #tpu.memory_space<semaphore_mem>>) src(%dma_wait3A_295 : memref<100000xf32, #tpu.memory_space<hbm>>) dst(%dma_wait3A_290 : memref<128xf32, #tpu.memory_space<vmem>>)
    %dma_wait3A_296 = arith.constant 3 : i32
    %dma_wait3A_297 = arith.constant 384 : i32
    %dma_wait3A_298 = tpu.memref_slice %arg14[%dma_wait3A_297] : memref<512xf32, #tpu.memory_space<vmem>> -> memref<128xf32, #tpu.memory_space<vmem>>
    %dma_wait3A_299 = arith.constant 0 : i32
    %dma_wait3A_300 = tpu.memref_slice %arg10[%dma_wait3A_296, %dma_wait3A_299] : memref<4x128xi32, #tpu.memory_space<vmem>> -> memref<1x128xi32, #tpu.memory_space<vmem>>
    %dma_wait3A_301 = tpu.memref_squeeze %dma_wait3A_300 : memref<1x128xi32, #tpu.memory_space<vmem>> -> memref<128xi32, #tpu.memory_space<vmem>>
    %dma_wait3A_302 = arith.constant 0 : i32
    %dma_wait3A_303 = tpu.memref_slice %arg7[%dma_wait3A_302] : memref<1000000xf32, #tpu.memory_space<hbm>> -> memref<1000000xf32, #tpu.memory_space<hbm>>
    tpu.wait_indirect_dma semaphore(%arg16 : memref<!tpu.dma_semaphore, #tpu.memory_space<semaphore_mem>>) src(%dma_wait3A_303 : memref<1000000xf32, #tpu.memory_space<hbm>>) dst(%dma_wait3A_298 : memref<128xf32, #tpu.memory_space<vmem>>)
    %iota3A = tpu.iota {dimensions = array<i32: 0>} : vector<16xi32>
    %scan3A = arith.constant 0 : i32
    %scan3A_304 = arith.constant 32 : i32
    %scan3A_305 = arith.addi %scan3A, %scan3A_304 : i32
    %scan3A_306 = arith.constant 1 : i32
    scf.for %scan3A_308 = %scan3A to %scan3A_305 step %scan3A_306  : i32 {
      %mul3A_309 = arith.constant 16 : i32
      %mul3A_310 = arith.muli %scan3A_308, %mul3A_309 : i32
      %add3A_311 = vector.broadcast %mul3A_310 : i32 to vector<16xi32>
      %add3A_312 = arith.addi %add3A_311, %iota3A : vector<16xi32>
      %gather3A = tpu.vector_load_idx %arg13[%add3A_312] : memref<512xf32, #tpu.memory_space<vmem>>[vector<16xi32>], vector<16xf32>,
      %gather3A_313 = tpu.vector_load_idx %arg14[%add3A_312] : memref<512xf32, #tpu.memory_space<vmem>>[vector<16xi32>], vector<16xf32>,
      %add3A_314 = arith.addf %gather3A, %gather3A_313 : vector<16xf32>
      %broadcast_in_dim3A = arith.constant 0 : i32
      %broadcast_in_dim3A_315 = vector.broadcast %broadcast_in_dim3A : i32 to vector<16xi32>
      %gather3A_316 = tpu.vector_load_idx %arg11[%add3A_312, %broadcast_in_dim3A_315] : memref<512x64xf32, #tpu.memory_space<vmem>>[vector<16xi32>, vector<16xi32>], vector<16xf32>,
      %gather3A_317 = tpu.vector_load_idx %arg12[%add3A_312, %broadcast_in_dim3A_315] : memref<512x64xf32, #tpu.memory_space<vmem>>[vector<16xi32>, vector<16xi32>], vector<16xf32>,
      %mul3A_318 = arith.mulf %gather3A_316, %gather3A_317 : vector<16xf32>
      %add3A_319 = arith.addf %add3A_314, %mul3A_318 : vector<16xf32>
      %broadcast_in_dim3A_320 = arith.constant 1 : i32
      %broadcast_in_dim3A_321 = vector.broadcast %broadcast_in_dim3A_320 : i32 to vector<16xi32>
      %gather3A_322 = tpu.vector_load_idx %arg11[%add3A_312, %broadcast_in_dim3A_321] : memref<512x64xf32, #tpu.memory_space<vmem>>[vector<16xi32>, vector<16xi32>], vector<16xf32>,
      %gather3A_323 = tpu.vector_load_idx %arg12[%add3A_312, %broadcast_in_dim3A_321] : memref<512x64xf32, #tpu.memory_space<vmem>>[vector<16xi32>, vector<16xi32>], vector<16xf32>,
      %mul3A_324 = arith.mulf %gather3A_322, %gather3A_323 : vector<16xf32>
      %add3A_325 = arith.addf %add3A_319, %mul3A_324 : vector<16xf32>
      %broadcast_in_dim3A_326 = arith.constant 2 : i32
      %broadcast_in_dim3A_327 = vector.broadcast %broadcast_in_dim3A_326 : i32 to vector<16xi32>
      %gather3A_328 = tpu.vector_load_idx %arg11[%add3A_312, %broadcast_in_dim3A_327] : memref<512x64xf32, #tpu.memory_space<vmem>>[vector<16xi32>, vector<16xi32>], vector<16xf32>,
      %gather3A_329 = tpu.vector_load_idx %arg12[%add3A_312, %broadcast_in_dim3A_327] : memref<512x64xf32, #tpu.memory_space<vmem>>[vector<16xi32>, vector<16xi32>], vector<16xf32>,
      %mul3A_330 = arith.mulf %gather3A_328, %gather3A_329 : vector<16xf32>
      %add3A_331 = arith.addf %add3A_325, %mul3A_330 : vector<16xf32>
      %broadcast_in_dim3A_332 = arith.constant 3 : i32
      %broadcast_in_dim3A_333 = vector.broadcast %broadcast_in_dim3A_332 : i32 to vector<16xi32>
      %gather3A_334 = tpu.vector_load_idx %arg11[%add3A_312, %broadcast_in_dim3A_333] : memref<512x64xf32, #tpu.memory_space<vmem>>[vector<16xi32>, vector<16xi32>], vector<16xf32>,
      %gather3A_335 = tpu.vector_load_idx %arg12[%add3A_312, %broadcast_in_dim3A_333] : memref<512x64xf32, #tpu.memory_space<vmem>>[vector<16xi32>, vector<16xi32>], vector<16xf32>,
      %mul3A_336 = arith.mulf %gather3A_334, %gather3A_335 : vector<16xf32>
      %add3A_337 = arith.addf %add3A_331, %mul3A_336 : vector<16xf32>
      %broadcast_in_dim3A_338 = arith.constant 4 : i32
      %broadcast_in_dim3A_339 = vector.broadcast %broadcast_in_dim3A_338 : i32 to vector<16xi32>
      %gather3A_340 = tpu.vector_load_idx %arg11[%add3A_312, %broadcast_in_dim3A_339] : memref<512x64xf32, #tpu.memory_space<vmem>>[vector<16xi32>, vector<16xi32>], vector<16xf32>,
      %gather3A_341 = tpu.vector_load_idx %arg12[%add3A_312, %broadcast_in_dim3A_339] : memref<512x64xf32, #tpu.memory_space<vmem>>[vector<16xi32>, vector<16xi32>], vector<16xf32>,
      %mul3A_342 = arith.mulf %gather3A_340, %gather3A_341 : vector<16xf32>
      %add3A_343 = arith.addf %add3A_337, %mul3A_342 : vector<16xf32>
      %broadcast_in_dim3A_344 = arith.constant 5 : i32
      %broadcast_in_dim3A_345 = vector.broadcast %broadcast_in_dim3A_344 : i32 to vector<16xi32>
      %gather3A_346 = tpu.vector_load_idx %arg11[%add3A_312, %broadcast_in_dim3A_345] : memref<512x64xf32, #tpu.memory_space<vmem>>[vector<16xi32>, vector<16xi32>], vector<16xf32>,
      %gather3A_347 = tpu.vector_load_idx %arg12[%add3A_312, %broadcast_in_dim3A_345] : memref<512x64xf32, #tpu.memory_space<vmem>>[vector<16xi32>, vector<16xi32>], vector<16xf32>,
      %mul3A_348 = arith.mulf %gather3A_346, %gather3A_347 : vector<16xf32>
      %add3A_349 = arith.addf %add3A_343, %mul3A_348 : vector<16xf32>
      %broadcast_in_dim3A_350 = arith.constant 6 : i32
      %broadcast_in_dim3A_351 = vector.broadcast %broadcast_in_dim3A_350 : i32 to vector<16xi32>
      %gather3A_352 = tpu.vector_load_idx %arg11[%add3A_312, %broadcast_in_dim3A_351] : memref<512x64xf32, #tpu.memory_space<vmem>>[vector<16xi32>, vector<16xi32>], vector<16xf32>,
      %gather3A_353 = tpu.vector_load_idx %arg12[%add3A_312, %broadcast_in_dim3A_351] : memref<512x64xf32, #tpu.memory_space<vmem>>[vector<16xi32>, vector<16xi32>], vector<16xf32>,
      %mul3A_354 = arith.mulf %gather3A_352, %gather3A_353 : vector<16xf32>
      %add3A_355 = arith.addf %add3A_349, %mul3A_354 : vector<16xf32>
      %broadcast_in_dim3A_356 = arith.constant 7 : i32
      %broadcast_in_dim3A_357 = vector.broadcast %broadcast_in_dim3A_356 : i32 to vector<16xi32>
      %gather3A_358 = tpu.vector_load_idx %arg11[%add3A_312, %broadcast_in_dim3A_357] : memref<512x64xf32, #tpu.memory_space<vmem>>[vector<16xi32>, vector<16xi32>], vector<16xf32>,
      %gather3A_359 = tpu.vector_load_idx %arg12[%add3A_312, %broadcast_in_dim3A_357] : memref<512x64xf32, #tpu.memory_space<vmem>>[vector<16xi32>, vector<16xi32>], vector<16xf32>,
      %mul3A_360 = arith.mulf %gather3A_358, %gather3A_359 : vector<16xf32>
      %add3A_361 = arith.addf %add3A_355, %mul3A_360 : vector<16xf32>
      %broadcast_in_dim3A_362 = arith.constant 8 : i32
      %broadcast_in_dim3A_363 = vector.broadcast %broadcast_in_dim3A_362 : i32 to vector<16xi32>
      %gather3A_364 = tpu.vector_load_idx %arg11[%add3A_312, %broadcast_in_dim3A_363] : memref<512x64xf32, #tpu.memory_space<vmem>>[vector<16xi32>, vector<16xi32>], vector<16xf32>,
      %gather3A_365 = tpu.vector_load_idx %arg12[%add3A_312, %broadcast_in_dim3A_363] : memref<512x64xf32, #tpu.memory_space<vmem>>[vector<16xi32>, vector<16xi32>], vector<16xf32>,
      %mul3A_366 = arith.mulf %gather3A_364, %gather3A_365 : vector<16xf32>
      %add3A_367 = arith.addf %add3A_361, %mul3A_366 : vector<16xf32>
      %broadcast_in_dim3A_368 = arith.constant 9 : i32
      %broadcast_in_dim3A_369 = vector.broadcast %broadcast_in_dim3A_368 : i32 to vector<16xi32>
      %gather3A_370 = tpu.vector_load_idx %arg11[%add3A_312, %broadcast_in_dim3A_369] : memref<512x64xf32, #tpu.memory_space<vmem>>[vector<16xi32>, vector<16xi32>], vector<16xf32>,
      %gather3A_371 = tpu.vector_load_idx %arg12[%add3A_312, %broadcast_in_dim3A_369] : memref<512x64xf32, #tpu.memory_space<vmem>>[vector<16xi32>, vector<16xi32>], vector<16xf32>,
      %mul3A_372 = arith.mulf %gather3A_370, %gather3A_371 : vector<16xf32>
      %add3A_373 = arith.addf %add3A_367, %mul3A_372 : vector<16xf32>
      %broadcast_in_dim3A_374 = arith.constant 10 : i32
      %broadcast_in_dim3A_375 = vector.broadcast %broadcast_in_dim3A_374 : i32 to vector<16xi32>
      %gather3A_376 = tpu.vector_load_idx %arg11[%add3A_312, %broadcast_in_dim3A_375] : memref<512x64xf32, #tpu.memory_space<vmem>>[vector<16xi32>, vector<16xi32>], vector<16xf32>,
      %gather3A_377 = tpu.vector_load_idx %arg12[%add3A_312, %broadcast_in_dim3A_375] : memref<512x64xf32, #tpu.memory_space<vmem>>[vector<16xi32>, vector<16xi32>], vector<16xf32>,
      %mul3A_378 = arith.mulf %gather3A_376, %gather3A_377 : vector<16xf32>
      %add3A_379 = arith.addf %add3A_373, %mul3A_378 : vector<16xf32>
      %broadcast_in_dim3A_380 = arith.constant 11 : i32
      %broadcast_in_dim3A_381 = vector.broadcast %broadcast_in_dim3A_380 : i32 to vector<16xi32>
      %gather3A_382 = tpu.vector_load_idx %arg11[%add3A_312, %broadcast_in_dim3A_381] : memref<512x64xf32, #tpu.memory_space<vmem>>[vector<16xi32>, vector<16xi32>], vector<16xf32>,
      %gather3A_383 = tpu.vector_load_idx %arg12[%add3A_312, %broadcast_in_dim3A_381] : memref<512x64xf32, #tpu.memory_space<vmem>>[vector<16xi32>, vector<16xi32>], vector<16xf32>,
      %mul3A_384 = arith.mulf %gather3A_382, %gather3A_383 : vector<16xf32>
      %add3A_385 = arith.addf %add3A_379, %mul3A_384 : vector<16xf32>
      %broadcast_in_dim3A_386 = arith.constant 12 : i32
      %broadcast_in_dim3A_387 = vector.broadcast %broadcast_in_dim3A_386 : i32 to vector<16xi32>
      %gather3A_388 = tpu.vector_load_idx %arg11[%add3A_312, %broadcast_in_dim3A_387] : memref<512x64xf32, #tpu.memory_space<vmem>>[vector<16xi32>, vector<16xi32>], vector<16xf32>,
      %gather3A_389 = tpu.vector_load_idx %arg12[%add3A_312, %broadcast_in_dim3A_387] : memref<512x64xf32, #tpu.memory_space<vmem>>[vector<16xi32>, vector<16xi32>], vector<16xf32>,
      %mul3A_390 = arith.mulf %gather3A_388, %gather3A_389 : vector<16xf32>
      %add3A_391 = arith.addf %add3A_385, %mul3A_390 : vector<16xf32>
      %broadcast_in_dim3A_392 = arith.constant 13 : i32
      %broadcast_in_dim3A_393 = vector.broadcast %broadcast_in_dim3A_392 : i32 to vector<16xi32>
      %gather3A_394 = tpu.vector_load_idx %arg11[%add3A_312, %broadcast_in_dim3A_393] : memref<512x64xf32, #tpu.memory_space<vmem>>[vector<16xi32>, vector<16xi32>], vector<16xf32>,
      %gather3A_395 = tpu.vector_load_idx %arg12[%add3A_312, %broadcast_in_dim3A_393] : memref<512x64xf32, #tpu.memory_space<vmem>>[vector<16xi32>, vector<16xi32>], vector<16xf32>,
      %mul3A_396 = arith.mulf %gather3A_394, %gather3A_395 : vector<16xf32>
      %add3A_397 = arith.addf %add3A_391, %mul3A_396 : vector<16xf32>
      %broadcast_in_dim3A_398 = arith.constant 14 : i32
      %broadcast_in_dim3A_399 = vector.broadcast %broadcast_in_dim3A_398 : i32 to vector<16xi32>
      %gather3A_400 = tpu.vector_load_idx %arg11[%add3A_312, %broadcast_in_dim3A_399] : memref<512x64xf32, #tpu.memory_space<vmem>>[vector<16xi32>, vector<16xi32>], vector<16xf32>,
      %gather3A_401 = tpu.vector_load_idx %arg12[%add3A_312, %broadcast_in_dim3A_399] : memref<512x64xf32, #tpu.memory_space<vmem>>[vector<16xi32>, vector<16xi32>], vector<16xf32>,
      %mul3A_402 = arith.mulf %gather3A_400, %gather3A_401 : vector<16xf32>
      %add3A_403 = arith.addf %add3A_397, %mul3A_402 : vector<16xf32>
      %broadcast_in_dim3A_404 = arith.constant 15 : i32
      %broadcast_in_dim3A_405 = vector.broadcast %broadcast_in_dim3A_404 : i32 to vector<16xi32>
      %gather3A_406 = tpu.vector_load_idx %arg11[%add3A_312, %broadcast_in_dim3A_405] : memref<512x64xf32, #tpu.memory_space<vmem>>[vector<16xi32>, vector<16xi32>], vector<16xf32>,
      %gather3A_407 = tpu.vector_load_idx %arg12[%add3A_312, %broadcast_in_dim3A_405] : memref<512x64xf32, #tpu.memory_space<vmem>>[vector<16xi32>, vector<16xi32>], vector<16xf32>,
      %mul3A_408 = arith.mulf %gather3A_406, %gather3A_407 : vector<16xf32>
      %add3A_409 = arith.addf %add3A_403, %mul3A_408 : vector<16xf32>
      %broadcast_in_dim3A_410 = arith.constant 16 : i32
      %broadcast_in_dim3A_411 = vector.broadcast %broadcast_in_dim3A_410 : i32 to vector<16xi32>
      %gather3A_412 = tpu.vector_load_idx %arg11[%add3A_312, %broadcast_in_dim3A_411] : memref<512x64xf32, #tpu.memory_space<vmem>>[vector<16xi32>, vector<16xi32>], vector<16xf32>,
      %gather3A_413 = tpu.vector_load_idx %arg12[%add3A_312, %broadcast_in_dim3A_411] : memref<512x64xf32, #tpu.memory_space<vmem>>[vector<16xi32>, vector<16xi32>], vector<16xf32>,
      %mul3A_414 = arith.mulf %gather3A_412, %gather3A_413 : vector<16xf32>
      %add3A_415 = arith.addf %add3A_409, %mul3A_414 : vector<16xf32>
      %broadcast_in_dim3A_416 = arith.constant 17 : i32
      %broadcast_in_dim3A_417 = vector.broadcast %broadcast_in_dim3A_416 : i32 to vector<16xi32>
      %gather3A_418 = tpu.vector_load_idx %arg11[%add3A_312, %broadcast_in_dim3A_417] : memref<512x64xf32, #tpu.memory_space<vmem>>[vector<16xi32>, vector<16xi32>], vector<16xf32>,
      %gather3A_419 = tpu.vector_load_idx %arg12[%add3A_312, %broadcast_in_dim3A_417] : memref<512x64xf32, #tpu.memory_space<vmem>>[vector<16xi32>, vector<16xi32>], vector<16xf32>,
      %mul3A_420 = arith.mulf %gather3A_418, %gather3A_419 : vector<16xf32>
      %add3A_421 = arith.addf %add3A_415, %mul3A_420 : vector<16xf32>
      %broadcast_in_dim3A_422 = arith.constant 18 : i32
      %broadcast_in_dim3A_423 = vector.broadcast %broadcast_in_dim3A_422 : i32 to vector<16xi32>
      %gather3A_424 = tpu.vector_load_idx %arg11[%add3A_312, %broadcast_in_dim3A_423] : memref<512x64xf32, #tpu.memory_space<vmem>>[vector<16xi32>, vector<16xi32>], vector<16xf32>,
      %gather3A_425 = tpu.vector_load_idx %arg12[%add3A_312, %broadcast_in_dim3A_423] : memref<512x64xf32, #tpu.memory_space<vmem>>[vector<16xi32>, vector<16xi32>], vector<16xf32>,
      %mul3A_426 = arith.mulf %gather3A_424, %gather3A_425 : vector<16xf32>
      %add3A_427 = arith.addf %add3A_421, %mul3A_426 : vector<16xf32>
      %broadcast_in_dim3A_428 = arith.constant 19 : i32
      %broadcast_in_dim3A_429 = vector.broadcast %broadcast_in_dim3A_428 : i32 to vector<16xi32>
      %gather3A_430 = tpu.vector_load_idx %arg11[%add3A_312, %broadcast_in_dim3A_429] : memref<512x64xf32, #tpu.memory_space<vmem>>[vector<16xi32>, vector<16xi32>], vector<16xf32>,
      %gather3A_431 = tpu.vector_load_idx %arg12[%add3A_312, %broadcast_in_dim3A_429] : memref<512x64xf32, #tpu.memory_space<vmem>>[vector<16xi32>, vector<16xi32>], vector<16xf32>,
      %mul3A_432 = arith.mulf %gather3A_430, %gather3A_431 : vector<16xf32>
      %add3A_433 = arith.addf %add3A_427, %mul3A_432 : vector<16xf32>
      %broadcast_in_dim3A_434 = arith.constant 20 : i32
      %broadcast_in_dim3A_435 = vector.broadcast %broadcast_in_dim3A_434 : i32 to vector<16xi32>
      %gather3A_436 = tpu.vector_load_idx %arg11[%add3A_312, %broadcast_in_dim3A_435] : memref<512x64xf32, #tpu.memory_space<vmem>>[vector<16xi32>, vector<16xi32>], vector<16xf32>,
      %gather3A_437 = tpu.vector_load_idx %arg12[%add3A_312, %broadcast_in_dim3A_435] : memref<512x64xf32, #tpu.memory_space<vmem>>[vector<16xi32>, vector<16xi32>], vector<16xf32>,
      %mul3A_438 = arith.mulf %gather3A_436, %gather3A_437 : vector<16xf32>
      %add3A_439 = arith.addf %add3A_433, %mul3A_438 : vector<16xf32>
      %broadcast_in_dim3A_440 = arith.constant 21 : i32
      %broadcast_in_dim3A_441 = vector.broadcast %broadcast_in_dim3A_440 : i32 to vector<16xi32>
      %gather3A_442 = tpu.vector_load_idx %arg11[%add3A_312, %broadcast_in_dim3A_441] : memref<512x64xf32, #tpu.memory_space<vmem>>[vector<16xi32>, vector<16xi32>], vector<16xf32>,
      %gather3A_443 = tpu.vector_load_idx %arg12[%add3A_312, %broadcast_in_dim3A_441] : memref<512x64xf32, #tpu.memory_space<vmem>>[vector<16xi32>, vector<16xi32>], vector<16xf32>,
      %mul3A_444 = arith.mulf %gather3A_442, %gather3A_443 : vector<16xf32>
      %add3A_445 = arith.addf %add3A_439, %mul3A_444 : vector<16xf32>
      %broadcast_in_dim3A_446 = arith.constant 22 : i32
      %broadcast_in_dim3A_447 = vector.broadcast %broadcast_in_dim3A_446 : i32 to vector<16xi32>
      %gather3A_448 = tpu.vector_load_idx %arg11[%add3A_312, %broadcast_in_dim3A_447] : memref<512x64xf32, #tpu.memory_space<vmem>>[vector<16xi32>, vector<16xi32>], vector<16xf32>,
      %gather3A_449 = tpu.vector_load_idx %arg12[%add3A_312, %broadcast_in_dim3A_447] : memref<512x64xf32, #tpu.memory_space<vmem>>[vector<16xi32>, vector<16xi32>], vector<16xf32>,
      %mul3A_450 = arith.mulf %gather3A_448, %gather3A_449 : vector<16xf32>
      %add3A_451 = arith.addf %add3A_445, %mul3A_450 : vector<16xf32>
      %broadcast_in_dim3A_452 = arith.constant 23 : i32
      %broadcast_in_dim3A_453 = vector.broadcast %broadcast_in_dim3A_452 : i32 to vector<16xi32>
      %gather3A_454 = tpu.vector_load_idx %arg11[%add3A_312, %broadcast_in_dim3A_453] : memref<512x64xf32, #tpu.memory_space<vmem>>[vector<16xi32>, vector<16xi32>], vector<16xf32>,
      %gather3A_455 = tpu.vector_load_idx %arg12[%add3A_312, %broadcast_in_dim3A_453] : memref<512x64xf32, #tpu.memory_space<vmem>>[vector<16xi32>, vector<16xi32>], vector<16xf32>,
      %mul3A_456 = arith.mulf %gather3A_454, %gather3A_455 : vector<16xf32>
      %add3A_457 = arith.addf %add3A_451, %mul3A_456 : vector<16xf32>
      %broadcast_in_dim3A_458 = arith.constant 24 : i32
      %broadcast_in_dim3A_459 = vector.broadcast %broadcast_in_dim3A_458 : i32 to vector<16xi32>
      %gather3A_460 = tpu.vector_load_idx %arg11[%add3A_312, %broadcast_in_dim3A_459] : memref<512x64xf32, #tpu.memory_space<vmem>>[vector<16xi32>, vector<16xi32>], vector<16xf32>,
      %gather3A_461 = tpu.vector_load_idx %arg12[%add3A_312, %broadcast_in_dim3A_459] : memref<512x64xf32, #tpu.memory_space<vmem>>[vector<16xi32>, vector<16xi32>], vector<16xf32>,
      %mul3A_462 = arith.mulf %gather3A_460, %gather3A_461 : vector<16xf32>
      %add3A_463 = arith.addf %add3A_457, %mul3A_462 : vector<16xf32>
      %broadcast_in_dim3A_464 = arith.constant 25 : i32
      %broadcast_in_dim3A_465 = vector.broadcast %broadcast_in_dim3A_464 : i32 to vector<16xi32>
      %gather3A_466 = tpu.vector_load_idx %arg11[%add3A_312, %broadcast_in_dim3A_465] : memref<512x64xf32, #tpu.memory_space<vmem>>[vector<16xi32>, vector<16xi32>], vector<16xf32>,
      %gather3A_467 = tpu.vector_load_idx %arg12[%add3A_312, %broadcast_in_dim3A_465] : memref<512x64xf32, #tpu.memory_space<vmem>>[vector<16xi32>, vector<16xi32>], vector<16xf32>,
      %mul3A_468 = arith.mulf %gather3A_466, %gather3A_467 : vector<16xf32>
      %add3A_469 = arith.addf %add3A_463, %mul3A_468 : vector<16xf32>
      %broadcast_in_dim3A_470 = arith.constant 26 : i32
      %broadcast_in_dim3A_471 = vector.broadcast %broadcast_in_dim3A_470 : i32 to vector<16xi32>
      %gather3A_472 = tpu.vector_load_idx %arg11[%add3A_312, %broadcast_in_dim3A_471] : memref<512x64xf32, #tpu.memory_space<vmem>>[vector<16xi32>, vector<16xi32>], vector<16xf32>,
      %gather3A_473 = tpu.vector_load_idx %arg12[%add3A_312, %broadcast_in_dim3A_471] : memref<512x64xf32, #tpu.memory_space<vmem>>[vector<16xi32>, vector<16xi32>], vector<16xf32>,
      %mul3A_474 = arith.mulf %gather3A_472, %gather3A_473 : vector<16xf32>
      %add3A_475 = arith.addf %add3A_469, %mul3A_474 : vector<16xf32>
      %broadcast_in_dim3A_476 = arith.constant 27 : i32
      %broadcast_in_dim3A_477 = vector.broadcast %broadcast_in_dim3A_476 : i32 to vector<16xi32>
      %gather3A_478 = tpu.vector_load_idx %arg11[%add3A_312, %broadcast_in_dim3A_477] : memref<512x64xf32, #tpu.memory_space<vmem>>[vector<16xi32>, vector<16xi32>], vector<16xf32>,
      %gather3A_479 = tpu.vector_load_idx %arg12[%add3A_312, %broadcast_in_dim3A_477] : memref<512x64xf32, #tpu.memory_space<vmem>>[vector<16xi32>, vector<16xi32>], vector<16xf32>,
      %mul3A_480 = arith.mulf %gather3A_478, %gather3A_479 : vector<16xf32>
      %add3A_481 = arith.addf %add3A_475, %mul3A_480 : vector<16xf32>
      %broadcast_in_dim3A_482 = arith.constant 28 : i32
      %broadcast_in_dim3A_483 = vector.broadcast %broadcast_in_dim3A_482 : i32 to vector<16xi32>
      %gather3A_484 = tpu.vector_load_idx %arg11[%add3A_312, %broadcast_in_dim3A_483] : memref<512x64xf32, #tpu.memory_space<vmem>>[vector<16xi32>, vector<16xi32>], vector<16xf32>,
      %gather3A_485 = tpu.vector_load_idx %arg12[%add3A_312, %broadcast_in_dim3A_483] : memref<512x64xf32, #tpu.memory_space<vmem>>[vector<16xi32>, vector<16xi32>], vector<16xf32>,
      %mul3A_486 = arith.mulf %gather3A_484, %gather3A_485 : vector<16xf32>
      %add3A_487 = arith.addf %add3A_481, %mul3A_486 : vector<16xf32>
      %broadcast_in_dim3A_488 = arith.constant 29 : i32
      %broadcast_in_dim3A_489 = vector.broadcast %broadcast_in_dim3A_488 : i32 to vector<16xi32>
      %gather3A_490 = tpu.vector_load_idx %arg11[%add3A_312, %broadcast_in_dim3A_489] : memref<512x64xf32, #tpu.memory_space<vmem>>[vector<16xi32>, vector<16xi32>], vector<16xf32>,
      %gather3A_491 = tpu.vector_load_idx %arg12[%add3A_312, %broadcast_in_dim3A_489] : memref<512x64xf32, #tpu.memory_space<vmem>>[vector<16xi32>, vector<16xi32>], vector<16xf32>,
      %mul3A_492 = arith.mulf %gather3A_490, %gather3A_491 : vector<16xf32>
      %add3A_493 = arith.addf %add3A_487, %mul3A_492 : vector<16xf32>
      %broadcast_in_dim3A_494 = arith.constant 30 : i32
      %broadcast_in_dim3A_495 = vector.broadcast %broadcast_in_dim3A_494 : i32 to vector<16xi32>
      %gather3A_496 = tpu.vector_load_idx %arg11[%add3A_312, %broadcast_in_dim3A_495] : memref<512x64xf32, #tpu.memory_space<vmem>>[vector<16xi32>, vector<16xi32>], vector<16xf32>,
      %gather3A_497 = tpu.vector_load_idx %arg12[%add3A_312, %broadcast_in_dim3A_495] : memref<512x64xf32, #tpu.memory_space<vmem>>[vector<16xi32>, vector<16xi32>], vector<16xf32>,
      %mul3A_498 = arith.mulf %gather3A_496, %gather3A_497 : vector<16xf32>
      %add3A_499 = arith.addf %add3A_493, %mul3A_498 : vector<16xf32>
      %broadcast_in_dim3A_500 = arith.constant 31 : i32
      %broadcast_in_dim3A_501 = vector.broadcast %broadcast_in_dim3A_500 : i32 to vector<16xi32>
      %gather3A_502 = tpu.vector_load_idx %arg11[%add3A_312, %broadcast_in_dim3A_501] : memref<512x64xf32, #tpu.memory_space<vmem>>[vector<16xi32>, vector<16xi32>], vector<16xf32>,
      %gather3A_503 = tpu.vector_load_idx %arg12[%add3A_312, %broadcast_in_dim3A_501] : memref<512x64xf32, #tpu.memory_space<vmem>>[vector<16xi32>, vector<16xi32>], vector<16xf32>,
      %mul3A_504 = arith.mulf %gather3A_502, %gather3A_503 : vector<16xf32>
      %add3A_505 = arith.addf %add3A_499, %mul3A_504 : vector<16xf32>
      %broadcast_in_dim3A_506 = arith.constant 32 : i32
      %broadcast_in_dim3A_507 = vector.broadcast %broadcast_in_dim3A_506 : i32 to vector<16xi32>
      %gather3A_508 = tpu.vector_load_idx %arg11[%add3A_312, %broadcast_in_dim3A_507] : memref<512x64xf32, #tpu.memory_space<vmem>>[vector<16xi32>, vector<16xi32>], vector<16xf32>,
      %gather3A_509 = tpu.vector_load_idx %arg12[%add3A_312, %broadcast_in_dim3A_507] : memref<512x64xf32, #tpu.memory_space<vmem>>[vector<16xi32>, vector<16xi32>], vector<16xf32>,
      %mul3A_510 = arith.mulf %gather3A_508, %gather3A_509 : vector<16xf32>
      %add3A_511 = arith.addf %add3A_505, %mul3A_510 : vector<16xf32>
      %broadcast_in_dim3A_512 = arith.constant 33 : i32
      %broadcast_in_dim3A_513 = vector.broadcast %broadcast_in_dim3A_512 : i32 to vector<16xi32>
      %gather3A_514 = tpu.vector_load_idx %arg11[%add3A_312, %broadcast_in_dim3A_513] : memref<512x64xf32, #tpu.memory_space<vmem>>[vector<16xi32>, vector<16xi32>], vector<16xf32>,
      %gather3A_515 = tpu.vector_load_idx %arg12[%add3A_312, %broadcast_in_dim3A_513] : memref<512x64xf32, #tpu.memory_space<vmem>>[vector<16xi32>, vector<16xi32>], vector<16xf32>,
      %mul3A_516 = arith.mulf %gather3A_514, %gather3A_515 : vector<16xf32>
      %add3A_517 = arith.addf %add3A_511, %mul3A_516 : vector<16xf32>
      %broadcast_in_dim3A_518 = arith.constant 34 : i32
      %broadcast_in_dim3A_519 = vector.broadcast %broadcast_in_dim3A_518 : i32 to vector<16xi32>
      %gather3A_520 = tpu.vector_load_idx %arg11[%add3A_312, %broadcast_in_dim3A_519] : memref<512x64xf32, #tpu.memory_space<vmem>>[vector<16xi32>, vector<16xi32>], vector<16xf32>,
      %gather3A_521 = tpu.vector_load_idx %arg12[%add3A_312, %broadcast_in_dim3A_519] : memref<512x64xf32, #tpu.memory_space<vmem>>[vector<16xi32>, vector<16xi32>], vector<16xf32>,
      %mul3A_522 = arith.mulf %gather3A_520, %gather3A_521 : vector<16xf32>
      %add3A_523 = arith.addf %add3A_517, %mul3A_522 : vector<16xf32>
      %broadcast_in_dim3A_524 = arith.constant 35 : i32
      %broadcast_in_dim3A_525 = vector.broadcast %broadcast_in_dim3A_524 : i32 to vector<16xi32>
      %gather3A_526 = tpu.vector_load_idx %arg11[%add3A_312, %broadcast_in_dim3A_525] : memref<512x64xf32, #tpu.memory_space<vmem>>[vector<16xi32>, vector<16xi32>], vector<16xf32>,
      %gather3A_527 = tpu.vector_load_idx %arg12[%add3A_312, %broadcast_in_dim3A_525] : memref<512x64xf32, #tpu.memory_space<vmem>>[vector<16xi32>, vector<16xi32>], vector<16xf32>,
      %mul3A_528 = arith.mulf %gather3A_526, %gather3A_527 : vector<16xf32>
      %add3A_529 = arith.addf %add3A_523, %mul3A_528 : vector<16xf32>
      %broadcast_in_dim3A_530 = arith.constant 36 : i32
      %broadcast_in_dim3A_531 = vector.broadcast %broadcast_in_dim3A_530 : i32 to vector<16xi32>
      %gather3A_532 = tpu.vector_load_idx %arg11[%add3A_312, %broadcast_in_dim3A_531] : memref<512x64xf32, #tpu.memory_space<vmem>>[vector<16xi32>, vector<16xi32>], vector<16xf32>,
      %gather3A_533 = tpu.vector_load_idx %arg12[%add3A_312, %broadcast_in_dim3A_531] : memref<512x64xf32, #tpu.memory_space<vmem>>[vector<16xi32>, vector<16xi32>], vector<16xf32>,
      %mul3A_534 = arith.mulf %gather3A_532, %gather3A_533 : vector<16xf32>
      %add3A_535 = arith.addf %add3A_529, %mul3A_534 : vector<16xf32>
      %broadcast_in_dim3A_536 = arith.constant 37 : i32
      %broadcast_in_dim3A_537 = vector.broadcast %broadcast_in_dim3A_536 : i32 to vector<16xi32>
      %gather3A_538 = tpu.vector_load_idx %arg11[%add3A_312, %broadcast_in_dim3A_537] : memref<512x64xf32, #tpu.memory_space<vmem>>[vector<16xi32>, vector<16xi32>], vector<16xf32>,
      %gather3A_539 = tpu.vector_load_idx %arg12[%add3A_312, %broadcast_in_dim3A_537] : memref<512x64xf32, #tpu.memory_space<vmem>>[vector<16xi32>, vector<16xi32>], vector<16xf32>,
      %mul3A_540 = arith.mulf %gather3A_538, %gather3A_539 : vector<16xf32>
      %add3A_541 = arith.addf %add3A_535, %mul3A_540 : vector<16xf32>
      %broadcast_in_dim3A_542 = arith.constant 38 : i32
      %broadcast_in_dim3A_543 = vector.broadcast %broadcast_in_dim3A_542 : i32 to vector<16xi32>
      %gather3A_544 = tpu.vector_load_idx %arg11[%add3A_312, %broadcast_in_dim3A_543] : memref<512x64xf32, #tpu.memory_space<vmem>>[vector<16xi32>, vector<16xi32>], vector<16xf32>,
      %gather3A_545 = tpu.vector_load_idx %arg12[%add3A_312, %broadcast_in_dim3A_543] : memref<512x64xf32, #tpu.memory_space<vmem>>[vector<16xi32>, vector<16xi32>], vector<16xf32>,
      %mul3A_546 = arith.mulf %gather3A_544, %gather3A_545 : vector<16xf32>
      %add3A_547 = arith.addf %add3A_541, %mul3A_546 : vector<16xf32>
      %broadcast_in_dim3A_548 = arith.constant 39 : i32
      %broadcast_in_dim3A_549 = vector.broadcast %broadcast_in_dim3A_548 : i32 to vector<16xi32>
      %gather3A_550 = tpu.vector_load_idx %arg11[%add3A_312, %broadcast_in_dim3A_549] : memref<512x64xf32, #tpu.memory_space<vmem>>[vector<16xi32>, vector<16xi32>], vector<16xf32>,
      %gather3A_551 = tpu.vector_load_idx %arg12[%add3A_312, %broadcast_in_dim3A_549] : memref<512x64xf32, #tpu.memory_space<vmem>>[vector<16xi32>, vector<16xi32>], vector<16xf32>,
      %mul3A_552 = arith.mulf %gather3A_550, %gather3A_551 : vector<16xf32>
      %add3A_553 = arith.addf %add3A_547, %mul3A_552 : vector<16xf32>
      %broadcast_in_dim3A_554 = arith.constant 40 : i32
      %broadcast_in_dim3A_555 = vector.broadcast %broadcast_in_dim3A_554 : i32 to vector<16xi32>
      %gather3A_556 = tpu.vector_load_idx %arg11[%add3A_312, %broadcast_in_dim3A_555] : memref<512x64xf32, #tpu.memory_space<vmem>>[vector<16xi32>, vector<16xi32>], vector<16xf32>,
      %gather3A_557 = tpu.vector_load_idx %arg12[%add3A_312, %broadcast_in_dim3A_555] : memref<512x64xf32, #tpu.memory_space<vmem>>[vector<16xi32>, vector<16xi32>], vector<16xf32>,
      %mul3A_558 = arith.mulf %gather3A_556, %gather3A_557 : vector<16xf32>
      %add3A_559 = arith.addf %add3A_553, %mul3A_558 : vector<16xf32>
      %broadcast_in_dim3A_560 = arith.constant 41 : i32
      %broadcast_in_dim3A_561 = vector.broadcast %broadcast_in_dim3A_560 : i32 to vector<16xi32>
      %gather3A_562 = tpu.vector_load_idx %arg11[%add3A_312, %broadcast_in_dim3A_561] : memref<512x64xf32, #tpu.memory_space<vmem>>[vector<16xi32>, vector<16xi32>], vector<16xf32>,
      %gather3A_563 = tpu.vector_load_idx %arg12[%add3A_312, %broadcast_in_dim3A_561] : memref<512x64xf32, #tpu.memory_space<vmem>>[vector<16xi32>, vector<16xi32>], vector<16xf32>,
      %mul3A_564 = arith.mulf %gather3A_562, %gather3A_563 : vector<16xf32>
      %add3A_565 = arith.addf %add3A_559, %mul3A_564 : vector<16xf32>
      %broadcast_in_dim3A_566 = arith.constant 42 : i32
      %broadcast_in_dim3A_567 = vector.broadcast %broadcast_in_dim3A_566 : i32 to vector<16xi32>
      %gather3A_568 = tpu.vector_load_idx %arg11[%add3A_312, %broadcast_in_dim3A_567] : memref<512x64xf32, #tpu.memory_space<vmem>>[vector<16xi32>, vector<16xi32>], vector<16xf32>,
      %gather3A_569 = tpu.vector_load_idx %arg12[%add3A_312, %broadcast_in_dim3A_567] : memref<512x64xf32, #tpu.memory_space<vmem>>[vector<16xi32>, vector<16xi32>], vector<16xf32>,
      %mul3A_570 = arith.mulf %gather3A_568, %gather3A_569 : vector<16xf32>
      %add3A_571 = arith.addf %add3A_565, %mul3A_570 : vector<16xf32>
      %broadcast_in_dim3A_572 = arith.constant 43 : i32
      %broadcast_in_dim3A_573 = vector.broadcast %broadcast_in_dim3A_572 : i32 to vector<16xi32>
      %gather3A_574 = tpu.vector_load_idx %arg11[%add3A_312, %broadcast_in_dim3A_573] : memref<512x64xf32, #tpu.memory_space<vmem>>[vector<16xi32>, vector<16xi32>], vector<16xf32>,
      %gather3A_575 = tpu.vector_load_idx %arg12[%add3A_312, %broadcast_in_dim3A_573] : memref<512x64xf32, #tpu.memory_space<vmem>>[vector<16xi32>, vector<16xi32>], vector<16xf32>,
      %mul3A_576 = arith.mulf %gather3A_574, %gather3A_575 : vector<16xf32>
      %add3A_577 = arith.addf %add3A_571, %mul3A_576 : vector<16xf32>
      %broadcast_in_dim3A_578 = arith.constant 44 : i32
      %broadcast_in_dim3A_579 = vector.broadcast %broadcast_in_dim3A_578 : i32 to vector<16xi32>
      %gather3A_580 = tpu.vector_load_idx %arg11[%add3A_312, %broadcast_in_dim3A_579] : memref<512x64xf32, #tpu.memory_space<vmem>>[vector<16xi32>, vector<16xi32>], vector<16xf32>,
      %gather3A_581 = tpu.vector_load_idx %arg12[%add3A_312, %broadcast_in_dim3A_579] : memref<512x64xf32, #tpu.memory_space<vmem>>[vector<16xi32>, vector<16xi32>], vector<16xf32>,
      %mul3A_582 = arith.mulf %gather3A_580, %gather3A_581 : vector<16xf32>
      %add3A_583 = arith.addf %add3A_577, %mul3A_582 : vector<16xf32>
      %broadcast_in_dim3A_584 = arith.constant 45 : i32
      %broadcast_in_dim3A_585 = vector.broadcast %broadcast_in_dim3A_584 : i32 to vector<16xi32>
      %gather3A_586 = tpu.vector_load_idx %arg11[%add3A_312, %broadcast_in_dim3A_585] : memref<512x64xf32, #tpu.memory_space<vmem>>[vector<16xi32>, vector<16xi32>], vector<16xf32>,
      %gather3A_587 = tpu.vector_load_idx %arg12[%add3A_312, %broadcast_in_dim3A_585] : memref<512x64xf32, #tpu.memory_space<vmem>>[vector<16xi32>, vector<16xi32>], vector<16xf32>,
      %mul3A_588 = arith.mulf %gather3A_586, %gather3A_587 : vector<16xf32>
      %add3A_589 = arith.addf %add3A_583, %mul3A_588 : vector<16xf32>
      %broadcast_in_dim3A_590 = arith.constant 46 : i32
      %broadcast_in_dim3A_591 = vector.broadcast %broadcast_in_dim3A_590 : i32 to vector<16xi32>
      %gather3A_592 = tpu.vector_load_idx %arg11[%add3A_312, %broadcast_in_dim3A_591] : memref<512x64xf32, #tpu.memory_space<vmem>>[vector<16xi32>, vector<16xi32>], vector<16xf32>,
      %gather3A_593 = tpu.vector_load_idx %arg12[%add3A_312, %broadcast_in_dim3A_591] : memref<512x64xf32, #tpu.memory_space<vmem>>[vector<16xi32>, vector<16xi32>], vector<16xf32>,
      %mul3A_594 = arith.mulf %gather3A_592, %gather3A_593 : vector<16xf32>
      %add3A_595 = arith.addf %add3A_589, %mul3A_594 : vector<16xf32>
      %broadcast_in_dim3A_596 = arith.constant 47 : i32
      %broadcast_in_dim3A_597 = vector.broadcast %broadcast_in_dim3A_596 : i32 to vector<16xi32>
      %gather3A_598 = tpu.vector_load_idx %arg11[%add3A_312, %broadcast_in_dim3A_597] : memref<512x64xf32, #tpu.memory_space<vmem>>[vector<16xi32>, vector<16xi32>], vector<16xf32>,
      %gather3A_599 = tpu.vector_load_idx %arg12[%add3A_312, %broadcast_in_dim3A_597] : memref<512x64xf32, #tpu.memory_space<vmem>>[vector<16xi32>, vector<16xi32>], vector<16xf32>,
      %mul3A_600 = arith.mulf %gather3A_598, %gather3A_599 : vector<16xf32>
      %add3A_601 = arith.addf %add3A_595, %mul3A_600 : vector<16xf32>
      %broadcast_in_dim3A_602 = arith.constant 48 : i32
      %broadcast_in_dim3A_603 = vector.broadcast %broadcast_in_dim3A_602 : i32 to vector<16xi32>
      %gather3A_604 = tpu.vector_load_idx %arg11[%add3A_312, %broadcast_in_dim3A_603] : memref<512x64xf32, #tpu.memory_space<vmem>>[vector<16xi32>, vector<16xi32>], vector<16xf32>,
      %gather3A_605 = tpu.vector_load_idx %arg12[%add3A_312, %broadcast_in_dim3A_603] : memref<512x64xf32, #tpu.memory_space<vmem>>[vector<16xi32>, vector<16xi32>], vector<16xf32>,
      %mul3A_606 = arith.mulf %gather3A_604, %gather3A_605 : vector<16xf32>
      %add3A_607 = arith.addf %add3A_601, %mul3A_606 : vector<16xf32>
      %broadcast_in_dim3A_608 = arith.constant 49 : i32
      %broadcast_in_dim3A_609 = vector.broadcast %broadcast_in_dim3A_608 : i32 to vector<16xi32>
      %gather3A_610 = tpu.vector_load_idx %arg11[%add3A_312, %broadcast_in_dim3A_609] : memref<512x64xf32, #tpu.memory_space<vmem>>[vector<16xi32>, vector<16xi32>], vector<16xf32>,
      %gather3A_611 = tpu.vector_load_idx %arg12[%add3A_312, %broadcast_in_dim3A_609] : memref<512x64xf32, #tpu.memory_space<vmem>>[vector<16xi32>, vector<16xi32>], vector<16xf32>,
      %mul3A_612 = arith.mulf %gather3A_610, %gather3A_611 : vector<16xf32>
      %add3A_613 = arith.addf %add3A_607, %mul3A_612 : vector<16xf32>
      %broadcast_in_dim3A_614 = arith.constant 50 : i32
      %broadcast_in_dim3A_615 = vector.broadcast %broadcast_in_dim3A_614 : i32 to vector<16xi32>
      %gather3A_616 = tpu.vector_load_idx %arg11[%add3A_312, %broadcast_in_dim3A_615] : memref<512x64xf32, #tpu.memory_space<vmem>>[vector<16xi32>, vector<16xi32>], vector<16xf32>,
      %gather3A_617 = tpu.vector_load_idx %arg12[%add3A_312, %broadcast_in_dim3A_615] : memref<512x64xf32, #tpu.memory_space<vmem>>[vector<16xi32>, vector<16xi32>], vector<16xf32>,
      %mul3A_618 = arith.mulf %gather3A_616, %gather3A_617 : vector<16xf32>
      %add3A_619 = arith.addf %add3A_613, %mul3A_618 : vector<16xf32>
      %broadcast_in_dim3A_620 = arith.constant 51 : i32
      %broadcast_in_dim3A_621 = vector.broadcast %broadcast_in_dim3A_620 : i32 to vector<16xi32>
      %gather3A_622 = tpu.vector_load_idx %arg11[%add3A_312, %broadcast_in_dim3A_621] : memref<512x64xf32, #tpu.memory_space<vmem>>[vector<16xi32>, vector<16xi32>], vector<16xf32>,
      %gather3A_623 = tpu.vector_load_idx %arg12[%add3A_312, %broadcast_in_dim3A_621] : memref<512x64xf32, #tpu.memory_space<vmem>>[vector<16xi32>, vector<16xi32>], vector<16xf32>,
      %mul3A_624 = arith.mulf %gather3A_622, %gather3A_623 : vector<16xf32>
      %add3A_625 = arith.addf %add3A_619, %mul3A_624 : vector<16xf32>
      %broadcast_in_dim3A_626 = arith.constant 52 : i32
      %broadcast_in_dim3A_627 = vector.broadcast %broadcast_in_dim3A_626 : i32 to vector<16xi32>
      %gather3A_628 = tpu.vector_load_idx %arg11[%add3A_312, %broadcast_in_dim3A_627] : memref<512x64xf32, #tpu.memory_space<vmem>>[vector<16xi32>, vector<16xi32>], vector<16xf32>,
      %gather3A_629 = tpu.vector_load_idx %arg12[%add3A_312, %broadcast_in_dim3A_627] : memref<512x64xf32, #tpu.memory_space<vmem>>[vector<16xi32>, vector<16xi32>], vector<16xf32>,
      %mul3A_630 = arith.mulf %gather3A_628, %gather3A_629 : vector<16xf32>
      %add3A_631 = arith.addf %add3A_625, %mul3A_630 : vector<16xf32>
      %broadcast_in_dim3A_632 = arith.constant 53 : i32
      %broadcast_in_dim3A_633 = vector.broadcast %broadcast_in_dim3A_632 : i32 to vector<16xi32>
      %gather3A_634 = tpu.vector_load_idx %arg11[%add3A_312, %broadcast_in_dim3A_633] : memref<512x64xf32, #tpu.memory_space<vmem>>[vector<16xi32>, vector<16xi32>], vector<16xf32>,
      %gather3A_635 = tpu.vector_load_idx %arg12[%add3A_312, %broadcast_in_dim3A_633] : memref<512x64xf32, #tpu.memory_space<vmem>>[vector<16xi32>, vector<16xi32>], vector<16xf32>,
      %mul3A_636 = arith.mulf %gather3A_634, %gather3A_635 : vector<16xf32>
      %add3A_637 = arith.addf %add3A_631, %mul3A_636 : vector<16xf32>
      %broadcast_in_dim3A_638 = arith.constant 54 : i32
      %broadcast_in_dim3A_639 = vector.broadcast %broadcast_in_dim3A_638 : i32 to vector<16xi32>
      %gather3A_640 = tpu.vector_load_idx %arg11[%add3A_312, %broadcast_in_dim3A_639] : memref<512x64xf32, #tpu.memory_space<vmem>>[vector<16xi32>, vector<16xi32>], vector<16xf32>,
      %gather3A_641 = tpu.vector_load_idx %arg12[%add3A_312, %broadcast_in_dim3A_639] : memref<512x64xf32, #tpu.memory_space<vmem>>[vector<16xi32>, vector<16xi32>], vector<16xf32>,
      %mul3A_642 = arith.mulf %gather3A_640, %gather3A_641 : vector<16xf32>
      %add3A_643 = arith.addf %add3A_637, %mul3A_642 : vector<16xf32>
      %broadcast_in_dim3A_644 = arith.constant 55 : i32
      %broadcast_in_dim3A_645 = vector.broadcast %broadcast_in_dim3A_644 : i32 to vector<16xi32>
      %gather3A_646 = tpu.vector_load_idx %arg11[%add3A_312, %broadcast_in_dim3A_645] : memref<512x64xf32, #tpu.memory_space<vmem>>[vector<16xi32>, vector<16xi32>], vector<16xf32>,
      %gather3A_647 = tpu.vector_load_idx %arg12[%add3A_312, %broadcast_in_dim3A_645] : memref<512x64xf32, #tpu.memory_space<vmem>>[vector<16xi32>, vector<16xi32>], vector<16xf32>,
      %mul3A_648 = arith.mulf %gather3A_646, %gather3A_647 : vector<16xf32>
      %add3A_649 = arith.addf %add3A_643, %mul3A_648 : vector<16xf32>
      %broadcast_in_dim3A_650 = arith.constant 56 : i32
      %broadcast_in_dim3A_651 = vector.broadcast %broadcast_in_dim3A_650 : i32 to vector<16xi32>
      %gather3A_652 = tpu.vector_load_idx %arg11[%add3A_312, %broadcast_in_dim3A_651] : memref<512x64xf32, #tpu.memory_space<vmem>>[vector<16xi32>, vector<16xi32>], vector<16xf32>,
      %gather3A_653 = tpu.vector_load_idx %arg12[%add3A_312, %broadcast_in_dim3A_651] : memref<512x64xf32, #tpu.memory_space<vmem>>[vector<16xi32>, vector<16xi32>], vector<16xf32>,
      %mul3A_654 = arith.mulf %gather3A_652, %gather3A_653 : vector<16xf32>
      %add3A_655 = arith.addf %add3A_649, %mul3A_654 : vector<16xf32>
      %broadcast_in_dim3A_656 = arith.constant 57 : i32
      %broadcast_in_dim3A_657 = vector.broadcast %broadcast_in_dim3A_656 : i32 to vector<16xi32>
      %gather3A_658 = tpu.vector_load_idx %arg11[%add3A_312, %broadcast_in_dim3A_657] : memref<512x64xf32, #tpu.memory_space<vmem>>[vector<16xi32>, vector<16xi32>], vector<16xf32>,
      %gather3A_659 = tpu.vector_load_idx %arg12[%add3A_312, %broadcast_in_dim3A_657] : memref<512x64xf32, #tpu.memory_space<vmem>>[vector<16xi32>, vector<16xi32>], vector<16xf32>,
      %mul3A_660 = arith.mulf %gather3A_658, %gather3A_659 : vector<16xf32>
      %add3A_661 = arith.addf %add3A_655, %mul3A_660 : vector<16xf32>
      %broadcast_in_dim3A_662 = arith.constant 58 : i32
      %broadcast_in_dim3A_663 = vector.broadcast %broadcast_in_dim3A_662 : i32 to vector<16xi32>
      %gather3A_664 = tpu.vector_load_idx %arg11[%add3A_312, %broadcast_in_dim3A_663] : memref<512x64xf32, #tpu.memory_space<vmem>>[vector<16xi32>, vector<16xi32>], vector<16xf32>,
      %gather3A_665 = tpu.vector_load_idx %arg12[%add3A_312, %broadcast_in_dim3A_663] : memref<512x64xf32, #tpu.memory_space<vmem>>[vector<16xi32>, vector<16xi32>], vector<16xf32>,
      %mul3A_666 = arith.mulf %gather3A_664, %gather3A_665 : vector<16xf32>
      %add3A_667 = arith.addf %add3A_661, %mul3A_666 : vector<16xf32>
      %broadcast_in_dim3A_668 = arith.constant 59 : i32
      %broadcast_in_dim3A_669 = vector.broadcast %broadcast_in_dim3A_668 : i32 to vector<16xi32>
      %gather3A_670 = tpu.vector_load_idx %arg11[%add3A_312, %broadcast_in_dim3A_669] : memref<512x64xf32, #tpu.memory_space<vmem>>[vector<16xi32>, vector<16xi32>], vector<16xf32>,
      %gather3A_671 = tpu.vector_load_idx %arg12[%add3A_312, %broadcast_in_dim3A_669] : memref<512x64xf32, #tpu.memory_space<vmem>>[vector<16xi32>, vector<16xi32>], vector<16xf32>,
      %mul3A_672 = arith.mulf %gather3A_670, %gather3A_671 : vector<16xf32>
      %add3A_673 = arith.addf %add3A_667, %mul3A_672 : vector<16xf32>
      %broadcast_in_dim3A_674 = arith.constant 60 : i32
      %broadcast_in_dim3A_675 = vector.broadcast %broadcast_in_dim3A_674 : i32 to vector<16xi32>
      %gather3A_676 = tpu.vector_load_idx %arg11[%add3A_312, %broadcast_in_dim3A_675] : memref<512x64xf32, #tpu.memory_space<vmem>>[vector<16xi32>, vector<16xi32>], vector<16xf32>,
      %gather3A_677 = tpu.vector_load_idx %arg12[%add3A_312, %broadcast_in_dim3A_675] : memref<512x64xf32, #tpu.memory_space<vmem>>[vector<16xi32>, vector<16xi32>], vector<16xf32>,
      %mul3A_678 = arith.mulf %gather3A_676, %gather3A_677 : vector<16xf32>
      %add3A_679 = arith.addf %add3A_673, %mul3A_678 : vector<16xf32>
      %broadcast_in_dim3A_680 = arith.constant 61 : i32
      %broadcast_in_dim3A_681 = vector.broadcast %broadcast_in_dim3A_680 : i32 to vector<16xi32>
      %gather3A_682 = tpu.vector_load_idx %arg11[%add3A_312, %broadcast_in_dim3A_681] : memref<512x64xf32, #tpu.memory_space<vmem>>[vector<16xi32>, vector<16xi32>], vector<16xf32>,
      %gather3A_683 = tpu.vector_load_idx %arg12[%add3A_312, %broadcast_in_dim3A_681] : memref<512x64xf32, #tpu.memory_space<vmem>>[vector<16xi32>, vector<16xi32>], vector<16xf32>,
      %mul3A_684 = arith.mulf %gather3A_682, %gather3A_683 : vector<16xf32>
      %add3A_685 = arith.addf %add3A_679, %mul3A_684 : vector<16xf32>
      %broadcast_in_dim3A_686 = arith.constant 62 : i32
      %broadcast_in_dim3A_687 = vector.broadcast %broadcast_in_dim3A_686 : i32 to vector<16xi32>
      %gather3A_688 = tpu.vector_load_idx %arg11[%add3A_312, %broadcast_in_dim3A_687] : memref<512x64xf32, #tpu.memory_space<vmem>>[vector<16xi32>, vector<16xi32>], vector<16xf32>,
      %gather3A_689 = tpu.vector_load_idx %arg12[%add3A_312, %broadcast_in_dim3A_687] : memref<512x64xf32, #tpu.memory_space<vmem>>[vector<16xi32>, vector<16xi32>], vector<16xf32>,
      %mul3A_690 = arith.mulf %gather3A_688, %gather3A_689 : vector<16xf32>
      %add3A_691 = arith.addf %add3A_685, %mul3A_690 : vector<16xf32>
      %broadcast_in_dim3A_692 = arith.constant 63 : i32
      %broadcast_in_dim3A_693 = vector.broadcast %broadcast_in_dim3A_692 : i32 to vector<16xi32>
      %gather3A_694 = tpu.vector_load_idx %arg11[%add3A_312, %broadcast_in_dim3A_693] : memref<512x64xf32, #tpu.memory_space<vmem>>[vector<16xi32>, vector<16xi32>], vector<16xf32>,
      %gather3A_695 = tpu.vector_load_idx %arg12[%add3A_312, %broadcast_in_dim3A_693] : memref<512x64xf32, #tpu.memory_space<vmem>>[vector<16xi32>, vector<16xi32>], vector<16xf32>,
      %mul3A_696 = arith.mulf %gather3A_694, %gather3A_695 : vector<16xf32>
      %add3A_697 = arith.addf %add3A_691, %mul3A_696 : vector<16xf32>
      %mul3A_698 = arith.constant 16 : i32
      %mul3A_699 = arith.muli %scan3A_308, %mul3A_698 : i32
      %swap3A = arith.index_cast %mul3A_699 : i32 to index
      %swap3A_700 = tpu.vector_load %arg15[%swap3A] {strides = array<i32>} : memref<512xf32, #tpu.memory_space<vmem>>, vector<16xf32>,
      tpu.vector_store %arg15[%swap3A], %add3A_697 {strides = array<i32>} : memref<512xf32, #tpu.memory_space<vmem>>, vector<16xf32>,
    }
    %scan3A_307 = arith.constant 32 : i32
    "tpu.region"() ({
      %run_scoped3A_308 = tpu.sem_alloc : memref<!tpu.dma_semaphore, #tpu.memory_space<semaphore_mem>>
      %dma_start3A_309 = tpu.memref_slice %arg8[%mul3A_2] : memref<16384xf32, #tpu.memory_space<hbm>> -> memref<512xf32, #tpu.memory_space<hbm>>
      %dma_start3A_310 = tpu.memref_slice %arg8[%mul3A_2] : memref<16384xf32, #tpu.memory_space<hbm>> -> memref<512xf32, #tpu.memory_space<hbm>>
      tpu.enqueue_dma source(%arg15 : memref<512xf32, #tpu.memory_space<vmem>>) target(%dma_start3A_310 : memref<512xf32, #tpu.memory_space<hbm>>) target_semaphore(%run_scoped3A_308 : memref<!tpu.dma_semaphore, #tpu.memory_space<semaphore_mem>>)
      %dma_wait3A_311 = tpu.memref_slice %arg8[%mul3A_2] : memref<16384xf32, #tpu.memory_space<hbm>> -> memref<512xf32, #tpu.memory_space<hbm>>
      %dma_wait3A_312 = tpu.memref_slice %arg8[%mul3A_2] : memref<16384xf32, #tpu.memory_space<hbm>> -> memref<512xf32, #tpu.memory_space<hbm>>
      tpu.wait_dma2 semaphore(%run_scoped3A_308 : memref<!tpu.dma_semaphore, #tpu.memory_space<semaphore_mem>>) src(%arg15 : memref<512xf32, #tpu.memory_space<vmem>>) dst(%dma_wait3A_312 : memref<512xf32, #tpu.memory_space<hbm>>)
      tpu.yield
    }) : () -> ()
    return
  }
}

</mosaic_0001>

<sc_bundles>
// kernel: kernel.3.cloned.1.call-start
scs
__scs_entry_jumppad:
0x0: {  	(pc) =	sbr.rel $0x88, $3  }
0x1: {  	(tag) =	ssettag $0x0;
	lr =	simm.s32 $0x1  }
0x2: {  	[smem:$0x3F9B] =	sst lr;
	_ =	strace $0xD0000000  }
0x3: {  	_ = 	snop  }
0x4: {  	_ = 	snop  }
0x5: {  	_ = 	snop  }
0x6: {  	_ = 	snop  }
0x7: {  	_ = 	snop  }
__scs_overlays_trampoline_lowered:
0x8: {  	[smem:$0x3FAA] =	sst s0  }
0x9: {  	[smem:$0x3FAB] =	sst s1  }
0xa: {  	[smem:$0x3FAC] =	sst s2  }
0xb: {  	[smem:$0x3FAD] =	sst s3  }
0xc: {  	[smem:$0x3FAE] =	sst s4  }
0xd: {  	[smem:$0x3FAF] =	sst s5  }
0xe: {  	[smem:$0x3FB0] =	sst s6  }
0xf: {  	[smem:$0x3FB1] =	sst s7  }
0x10: {  	[smem:$0x3FB2] =	sst s8  }
0x11: {  	[smem:$0x3FB3] =	sst s9;
	s0 =	simm.s32 @!p0 $0x0  }
0x12: {  	s1 =	sld [smem:$0x3F99];
	s0 =	simm.s32 @p0 $0x1  }
0x13: {  	[smem:$0x3FB4] =	sst s0;
	s0 =	simm.s32 @!p1 $0x0  }
0x14: {  	s2 =	sld [smem:$0x3F98];
	s0 =	simm.s32 @p1 $0x1  }
0x15: {  	[smem:$0x3FB5] =	sst s0;
	s0 =	simm.s32 @!p2 $0x0  }
0x16: {  	s3 =	sld [smem:$0x3FDB];
	s0 =	simm.s32 @p2 $0x1  }
0x17: {  	s4 =	simm.s32 $0x1BF5;
	[smem:$0x3FB7] =	sst s0  }
0x18: {  	s0 =	sld [smem:$0x3F9A];
	_ =	swait.ge [sflag:s4], $0x0  }
0x19: {  	s7 =	sld [smem:$0x3F9B]  }
0x1a: {  	s8 =	sadd.s32 $0xFFFFE003, lr  }
0x1b: {  	s9 =	sadd.s32 $0xFFFFFEF7, lr;
	s5 =	simm.s32 $0xFFFFFFFF;
	p2 =	slt.u32 s8, $0xFFFFF086  }
0x1c: {  	p1 =	slt.u32 s9, $0xF7A;
	s5 =	simm.s32 @!p2 $0x0  }
0x1d: {  	s5 =	simm.s32 @p1 $0x1;
	p0 =	seq.s32 s7, s2  }
0x1e: {  	s7 =	smul.u32 @!p0 $0xF7A, s2;
	p2 =	seq.s32 @!p0 s5, $0x0  }
0x1f: {  	s9 =	smul.u32 $0xF7A, s1;
	s8 =	simm.s32 @!p0 $0x1BF5;
	p2 =	por !p2, p0  }
0x20: {  	[sflag:s8] =	ssyncset.s32 @!p0 $0xFFFFF086;
	s6 =	sadd.s32 @!p0 s3, s7;
	s7 =	simm.s32 @!p0 $0x108  }
0x21: {  	s3 =	sadd.s32 s3, s9;
	s6 =	sadd.s32 @!p0 $0x88, s6;
	s7 =	simm.s32 @p2 $0x1082  }
0x22: {  	[simem:s7], [sflag:s8] =	dma.local @!p0 [hbm:s6], $0xF7A  }
0x23: {  	s9 =	sor.u32 $0xD0000000, s2;
	s6 =	simm.s32 $0x108;
	_ =	swait.ge @!p0 [sflag:s8], $0x0  }
0x24: {  	s3 =	sadd.s32 $0x88, s3;
	s6 =	simm.s32 @!p1 $0x1082;
	[sflag:s4] =	ssyncset.s32 $0xFFFFF086  }
0x25: {  	[simem:s6], [sflag:s4] =	dma.local [hbm:s3], $0xF7A  }
0x26: {  	[smem:$0x3F9B] =	sst s1;
	(tag) =	ssettag s2;
	_ =	strace s9  }
0x27: {  	s1 =	sld [smem:$0x3FAB]  }
0x28: {  	s2 =	sld [smem:$0x3FAC]  }
0x29: {  	s4 =	sld [smem:$0x3FAE]  }
0x2a: {  	p0 =	seq.s32 s5, $0x0;
	s5 =	sld [smem:$0x3FAF]  }
0x2b: {  	s6 =	sld [smem:$0x3FB0]  }
0x2c: {  	s7 =	sld [smem:$0x3FB1]  }
0x2d: {  	s3 =	simm.s32 $0x108;
	s8 =	sld [smem:$0x3FB2]  }
0x2e: {  	s3 =	simm.s32 @!p0 $0x1082;
	s9 =	sld [smem:$0x3FB3]  }
0x2f: {  	lr =	sadd.s32 s0, s3;
	s0 =	sld [smem:$0x3FAA]  }
0x30: {  	s3 =	sld [smem:$0x3FAD]  }
0x31: {  	[smem:$0x3FB6] =	sst s10  }
0x32: {  	s10 =	sld [smem:$0x3FB4];
	_ =	sdelay $0x3  }
0x33: {  	p0 =	seq.s32 s10, $0x1;
	s10 =	sld [smem:$0x3FB6];
	_ =	sdelay $0x3  }
0x34: {  	[smem:$0x3FB6] =	sst s10  }
0x35: {  	s10 =	sld [smem:$0x3FB5];
	_ =	sdelay $0x3  }
0x36: {  	p1 =	seq.s32 s10, $0x1;
	s10 =	sld [smem:$0x3FB6];
	_ =	sdelay $0x3  }
0x37: {  	[smem:$0x3FB6] =	sst s10  }
0x38: {  	s10 =	sld [smem:$0x3FB7]  }
0x39: {  	_ = 	snop;
	(pc) =	sbr.ind lr, $3  }
0x3a: {  	_ = 	snop  }
0x3b: {  	_ = 	snop  }
0x3c: {  	p2 =	seq.s32 s10, $0x1;
	s10 =	sld [smem:$0x3FB6]  }
0x3d: {  	_ =	shalt  }
0x3e: {  	_ =	shalt  }
0x3f: {  	_ =	shalt  }
0x40: {  	_ =	shalt  }
0x41: {  	_ =	shalt  }
0x42: {  	_ =	shalt  }
0x43: {  	_ =	shalt  }
0x44: {  	_ =	shalt  }
0x45: {  	_ =	shalt  }
0x46: {  	_ =	shalt  }
0x47: {  	_ =	shalt  }
0x48: {  	_ =	shalt  }
0x49: {  	_ =	shalt  }
0x4a: {  	_ =	shalt  }
0x4b: {  	_ =	shalt  }
0x4c: {  	_ =	shalt  }
0x4d: {  	_ =	shalt  }
0x4e: {  	_ =	shalt  }
0x4f: {  	_ =	shalt  }
0x50: {  	_ =	shalt  }
0x51: {  	_ =	shalt  }
0x52: {  	_ =	shalt  }
0x53: {  	_ =	shalt  }
0x54: {  	_ =	shalt  }
0x55: {  	_ =	shalt  }
0x56: {  	_ =	shalt  }
0x57: {  	_ =	shalt  }
0x58: {  	_ =	shalt  }
0x59: {  	_ =	shalt  }
0x5a: {  	_ =	shalt  }
0x5b: {  	_ =	shalt  }
0x5c: {  	_ =	shalt  }
0x5d: {  	_ =	shalt  }
0x5e: {  	_ =	shalt  }
0x5f: {  	_ =	shalt  }
0x60: {  	_ =	shalt  }
0x61: {  	_ =	shalt  }
0x62: {  	_ =	shalt  }
0x63: {  	_ =	shalt  }
0x64: {  	_ =	shalt  }
0x65: {  	_ =	shalt  }
0x66: {  	_ =	shalt  }
0x67: {  	_ =	shalt  }
0x68: {  	_ =	shalt  }
0x69: {  	_ =	shalt  }
0x6a: {  	_ =	shalt  }
0x6b: {  	_ =	shalt  }
0x6c: {  	_ =	shalt  }
0x6d: {  	_ =	shalt  }
0x6e: {  	_ =	shalt  }
0x6f: {  	_ =	shalt  }
0x70: {  	_ =	shalt  }
0x71: {  	_ =	shalt  }
0x72: {  	_ =	shalt  }
0x73: {  	_ =	shalt  }
0x74: {  	_ =	shalt  }
0x75: {  	_ =	shalt  }
0x76: {  	_ =	shalt  }
0x77: {  	_ =	shalt  }
0x78: {  	_ =	shalt  }
0x79: {  	_ =	shalt  }
0x7a: {  	_ =	shalt  }
0x7b: {  	_ =	shalt  }
0x7c: {  	_ =	shalt  }
0x7d: {  	_ =	shalt  }
0x7e: {  	_ =	shalt  }
0x7f: {  	_ =	shalt  }
0x80: {  	_ =	shalt  }
0x81: {  	_ =	shalt  }
0x82: {  	_ =	shalt  }
0x83: {  	_ =	shalt  }
0x84: {  	_ =	shalt  }
0x85: {  	_ =	shalt  }
0x86: {  	_ =	shalt  }
0x87: {  	_ =	shalt  }
.Lfunc_end0:
.L_simem_size_0:
called_computation_lowered:
.L_overlay_start_0:
0x88: {  	s2 =	sld [smem:$0x3FD9]  }
0x89: {  	s3 =	sld [smem:$0x3FFE];
	_ =	sdelay $0x1  }
0x8a: {  	s1 =	srdreg.scid  }
0x8b: {  	s0 =	sand.u32 $0x1, s1  }
0x8c: {  	s17 =	sshll.u32 s0, $0xA;
	s2 =	sadd.s32 s3, s2  }
0x8d: {  	s2 =	sadd.s32 s2, s17  }
0x8e: {  	[smem:$0x3FC2] =	sst s2  }
0x8f: {  	_ = 	snop  }
0x90: {  	s2 =	sld [smem:$0x3FC9]  }
0x91: {  	s18 =	sld [smem:$0x3FC8]  }
0x92: {  	s4 =	sld [smem:$0x3FD0];
	(tm) =	ssettm $0x1  }
0x93: {  	s5 =	sld [smem:$0x3FFB];
	_ =	sdelay $0x3  }
0x94: {  	_ =	strace s5  }
0x95: {  	s5 =	sld [smem:$0x3FFC];
	_ =	sdelay $0x3  }
0x96: {  	_ =	strace s5  }
0x97: {  	s5 =	sld [smem:$0x3FFD];
	_ =	sdelay $0x3  }
0x98: {  	_ =	strace s5  }
0x99: {  	_ =	strace $0x8FFFFFFF  }
0x9a: {  	s19 =	sld [smem:$0x3FDB];
	_ =	sdelay $0x1  }
0x9b: {  	s6 =	simm.s32 $_scs_section_size  }
0x9c: {  	s7 =	simm.s32 $_size__tile_overlayer_lowered;
	s8 =	simm.s32 $_tile_overlayer_lowered  }
0x9d: {  	s22 =	simm.s32 $0x1BFF;
	s21 =	sshll.u32 s8, $0x1;
	s5 =	sadd.s32 s6, s19  }
0x9e: {  	s9 =	simm.s32 $0x0;
	s20 =	sshll.u32 s7, $0x1;
	s7 =	sadd.s32 s21, s5  }
0x9f: {  	[timem:s9], [sflag:s22] =	dma.local [hbm:s7], s20  }
0xa0: {  	_ =	swait.ge [sflag:s22], s20  }
0xa1: {  	s6 =	ssub.s32 $0x0, s20;
	[sflag:s22] =	ssyncset.done $0x0  }
0xa2: {  	[sflag:s22] =	ssyncadd.s32 s6;
	_ =	sdelay $0x1  }
0xa3: {  	s23 =	simm.s32 $0x1B8B  }
0xa4: {  	_ =	swait.ge [sflag:s23], $0x1  }
0xa5: {  	[sflag:s23] =	ssyncset.done $0x0  }
0xa6: {  	s25 =	simm.s32 $0x1B8E;
	s24 =	sld [smem:$0x3FFE];
	[sflag:s23] =	ssyncadd.s32 $0xFFFFFFFF  }
0xa7: {  	s26 =	simm.s32 $execute0_lowered;
	[smem:$0x3FD2] =	sst s25  }
0xa8: {  	s7 =	sshll.u32 s26, $0x1;
	_ =	strace $0x80000046;
	[dreg:$0x1] =	wrdreg $0xFFFFFFFF  }
0xa9: {  	s28 =	simm.s32 $_size_execute0_lowered;
	s5 =	sadd.s32 s5, s7;
	[dreg:$0x0] =	wrdreg $0x0  }
0xaa: {  	s7 =	sshll.u32 s28, $0x1;
	[dreg:$0x2] =	wrdreg s5  }
0xab: {  	[dreg:$0x3] =	wrdreg s7  }
0xac: {  	[dreg:$0x4] =	wrdreg $0xC0  }
0xad: {  	_ =	task [dreg:s9], $0x5FFFF  }
0xae: {  	[dreg:$0x1] =	wrdreg $0xFFFFFFFF  }
0xaf: {  	[dreg:$0x0] =	wrdreg $0x60  }
0xb0: {  	[dreg:$0x2] =	wrdreg s2  }
0xb1: {  	[dreg:$0x3] =	wrdreg s18  }
0xb2: {  	[dreg:$0x4] =	wrdreg s24  }
0xb3: {  	[dreg:$0x5] =	wrdreg s4  }
0xb4: {  	[dreg:$0x6] =	wrdreg $0x9  }
0xb5: {  	_ =	task.clear_ibuf [dreg:s9], $0x7FFFF;
	_ =	strace $0x90000046  }
0xb6: {  	s29 =	simm.s32 $0x9;
	_ =	strace $0x80000048  }
0xb7: {  	_ =	swait.ge [sflag:s29], $0x1  }
0xb8: {  	[sflag:s29] =	ssyncadd.s32 $0xFFFFFFFF  }
0xb9: {  	_ =	strace $0x90000048  }
0xba: {  	_ =	sfence  }
0xbb: {  	s30 =	sld [smem:$0x0];
	_ =	sdelay $0x2  }
0xbc: {  	s31 =	sshll.u32 s1, $0xD;
	s1 =	sshrl.u32 s1, $0x2  }
0xbd: {  	s3 =	sand.u32 $0x4000, s31;
	s1 =	sadd.s32 s1, s30  }
0xbe: {  	s0 =	sor.u32 s3, s0;
	s1 =	sshll.u32 s1, $0x11  }
0xbf: {  	s0 =	sor.u32 s1, s0  }
0xc0: {  	s0 =	sadd.s32 $0x8F2B, s0  }
0xc1: {  	[sflag:s0] =	ssyncadd.remote.s32 $0x1  }
0xc2: {  	_ =	sfence.sel $0xFFFF  }
0xc3: {  	[dreg:$0x0] =	wrdreg $0xFFFFFFFF;
	(pc) =	sbr.abs _section_cstart, $3  }
0xc4: {  	[dreg:$0x1] =	wrdreg $0xFFFFFFFF  }
0xc5: {  	_ =	task.clear_ibuf [dreg:s9], $0x2FFFF;
	_ =	strace $0x9FFFFFFF  }
0xc6: {  	(tm) =	ssettm $0x7FFFFFFF  }
0xc7: {  	_ =	shalt  }
tec
execute0_lowered:
.L_overlay_start_1:
0x0: {  	(tag) =	ssettag $0x1  }
0x1: {  	s0 =	rddreg [dreg:$0x0]  }
0x2: {  	s3 =	rddreg [dreg:$0x1]  }
0x3: {  	s1 =	rddreg [dreg:$0x2]  }
0x4: {  	s7 =	rddreg [dreg:$0x3];
	s2 =	simm.s32 $0x0;
	s5 =	srdreg.scid  }
0x5: {  	s6 =	stileid.u32;
	s17 =	simm.s32 $0x2;
	s18 =	simm.s32 $0x200  }
0x6: {  	s19 =	simm.s32 $0x80;
	s20 =	simm.s32 $0x280;
	s21 =	simm.s32 $0x100  }
0x7: {  	s22 =	simm.s32 $0x300;
	s23 =	simm.s32 $0x180;
	s24 =	simm.s32 $0x380  }
0x8: {  	s28 =	simm.s32 $0x10400;
	s29 =	simm.s32 $0x10600;
	s30 =	simm.s32 $0x1  }
0x9: {  	s31 =	simm.s32 $0x10800;
	[smem:$0x7FF] =	sst s2;
	s4 =	sadd.s32 $0x186A00, s1  }
0xa: {  	s5 =	sand.u32 $0x1, s5;
	s6 =	sshll.u32 s6, $0x7;
	_ =	strace $0x80000047  }
0xb: {  	s8 =	ssub.s32 $0x2, s5;
	s9 =	sshll.u32 s5, $0x6;
	s5 =	sadd.s32 $0xF42400, s1  }
0xc: {  	s10 =	sshrl.u32 s8, $0x1;
	s15 =	sor.u32 s9, s6;
	s6 =	sadd.s32 $0x1EA00, s1  }
0xd: {  	s16 =	ssub.s32 s8, s10;
	s25 =	sor.u32 $0x10, s15;
	s26 =	sadd.s32 s0, s15  }
0xe: {  	s8 =	sadd.s32 s3, s15;
	s12 =	sor.u32 $0x20, s15;
	s14 =	sor.u32 $0x30, s15  }
0xf: {  	s15 =	sadd.s32 s7, s15;
	[dreg:$0x5] =	wrdreg s26;
	s9 =	sadd.s32 s0, s25  }
0x10: {  	s10 =	sadd.s32 s3, s25;
	s11 =	sadd.s32 s0, s12;
	s12 =	sadd.s32 s3, s12  }
0x11: {  	v0 =	vlaneseq.u32;
	s13 =	sadd.s32 s0, s14;
	s14 =	sadd.s32 s3, s14;
	s16 =	smax.u32 s16, $0x1  }
0x12: {  	v1 =	vor.u32 $0xFFFFFFF8, v0;
	s25 =	simm.s32 $0x400;
	s26 =	simm.s32 $0x8400;
	s0 =	simm.s32 $0x0  }
.LBB2_1:
0x13: {  	s3 =	rddreg [dreg:$0x5]  }
0x14: {  	[tilespmem:s2], [sflag:$0x2] =	stream.linear.gather [hbm4b:s3+s2], $0x80, $0x38;
	[tilespmem:$0x10A00] =	vst v63  }
0x15: {  	_ =	swait.ge [sflag:s17], $0x80  }
0x16: {  	[sflag:s17] =	ssyncset.done $0x0  }
0x17: {  	[sflag:s17] =	ssyncadd.s32 $0xFFFFFF80  }
0x18: {  	[tilespmem:s18], [sflag:$0x2] =	stream.linear.gather [hbm4b:s8+s2], $0x80, $0x38;
	[tilespmem:$0x10A00] =	vst v63  }
0x19: {  	_ =	swait.ge [sflag:s17], $0x80  }
0x1a: {  	[sflag:s17] =	ssyncset.done $0x0  }
0x1b: {  	[sflag:s17] =	ssyncadd.s32 $0xFFFFFF80  }
0x1c: {  	[tilespmem:s19], [sflag:$0x2] =	stream.linear.gather [hbm4b:s9+s2], $0x80, $0x38;
	[tilespmem:$0x10A00] =	vst v63  }
0x1d: {  	_ =	swait.ge [sflag:s17], $0x80  }
0x1e: {  	[sflag:s17] =	ssyncset.done $0x0  }
0x1f: {  	[sflag:s17] =	ssyncadd.s32 $0xFFFFFF80  }
0x20: {  	[tilespmem:s20], [sflag:$0x2] =	stream.linear.gather [hbm4b:s10+s2], $0x80, $0x38;
	[tilespmem:$0x10A00] =	vst v63  }
0x21: {  	_ =	swait.ge [sflag:s17], $0x80  }
0x22: {  	[sflag:s17] =	ssyncset.done $0x0  }
0x23: {  	[sflag:s17] =	ssyncadd.s32 $0xFFFFFF80  }
0x24: {  	[tilespmem:s21], [sflag:$0x2] =	stream.linear.gather [hbm4b:s11+s2], $0x80, $0x38;
	[tilespmem:$0x10A00] =	vst v63  }
0x25: {  	_ =	swait.ge [sflag:s17], $0x80  }
0x26: {  	[sflag:s17] =	ssyncset.done $0x0  }
0x27: {  	[sflag:s17] =	ssyncadd.s32 $0xFFFFFF80  }
0x28: {  	[tilespmem:s22], [sflag:$0x2] =	stream.linear.gather [hbm4b:s12+s2], $0x80, $0x38;
	[tilespmem:$0x10A00] =	vst v63  }
0x29: {  	_ =	swait.ge [sflag:s17], $0x80  }
0x2a: {  	[sflag:s17] =	ssyncset.done $0x0  }
0x2b: {  	[sflag:s17] =	ssyncadd.s32 $0xFFFFFF80  }
0x2c: {  	[tilespmem:s23], [sflag:$0x2] =	stream.linear.gather [hbm4b:s13+s2], $0x80, $0x38;
	[tilespmem:$0x10A00] =	vst v63  }
0x2d: {  	_ =	swait.ge [sflag:s17], $0x80  }
0x2e: {  	[sflag:s17] =	ssyncset.done $0x0  }
0x2f: {  	[sflag:s17] =	ssyncadd.s32 $0xFFFFFF80  }
0x30: {  	[tilespmem:s24], [sflag:$0x2] =	stream.linear.gather [hbm4b:s14+s2], $0x80, $0x38;
	[tilespmem:$0x10A00] =	vst v63  }
0x31: {  	_ =	swait.ge [sflag:s17], $0x80  }
0x32: {  	[sflag:s17] =	ssyncset.done $0x0  }
0x33: {  	[sflag:s17] =	ssyncadd.s32 $0xFFFFFF80  }
0x34: {  	[tilespmem:s25], [sflag:$0x1] =	stream.indirect.gather [hbm4b:s4+s19], $0x40, s2, s19, $0xb8;
	[tilespmem:$0x10A00] =	vst v63  }
0x35: {  	_ = 	snop  }
0x36: {  	[tilespmem:s26], [sflag:$0x1] =	stream.indirect.gather [hbm4b:s5+s19], $0x40, s18, s19, $0xb8;
	[tilespmem:$0x10A00] =	vst v63  }
0x37: {  	_ = 	snop  }
0x38: {  	[tilespmem:s28], [sflag:$0x1] =	stream.indirect.gather [hbm4b:s6+s19], $0x1, s2, s19, $0xb8;
	[tilespmem:$0x10A00] =	vst v63  }
0x39: {  	_ = 	snop  }
0x3a: {  	[tilespmem:s29], [sflag:$0x1] =	stream.indirect.gather [hbm4b:s1+s19], $0x1, s18, s19, $0xb8;
	[tilespmem:$0x10A00] =	vst v63  }
0x3b: {  	s7 =	simm.s32 $0x2400  }
0x3c: {  	[tilespmem:s7], [sflag:$0x1] =	stream.indirect.gather [hbm4b:s4+s19], $0x40, s19, s19, $0xb8;
	[tilespmem:$0x10A00] =	vst v63  }
0x3d: {  	s7 =	simm.s32 $0xA400  }
0x3e: {  	[tilespmem:s7], [sflag:$0x1] =	stream.indirect.gather [hbm4b:s5+s19], $0x40, s20, s19, $0xb8;
	[tilespmem:$0x10A00] =	vst v63  }
0x3f: {  	s7 =	simm.s32 $0x10480  }
0x40: {  	[tilespmem:s7], [sflag:$0x1] =	stream.indirect.gather [hbm4b:s6+s19], $0x1, s19, s19, $0xb8;
	[tilespmem:$0x10A00] =	vst v63  }
0x41: {  	s7 =	simm.s32 $0x10680  }
0x42: {  	[tilespmem:s7], [sflag:$0x1] =	stream.indirect.gather [hbm4b:s1+s19], $0x1, s20, s19, $0xb8;
	[tilespmem:$0x10A00] =	vst v63  }
0x43: {  	s7 =	simm.s32 $0x4400  }
0x44: {  	[tilespmem:s7], [sflag:$0x1] =	stream.indirect.gather [hbm4b:s4+s19], $0x40, s21, s19, $0xb8;
	[tilespmem:$0x10A00] =	vst v63  }
0x45: {  	s7 =	simm.s32 $0xC400  }
0x46: {  	[tilespmem:s7], [sflag:$0x1] =	stream.indirect.gather [hbm4b:s5+s19], $0x40, s22, s19, $0xb8;
	[tilespmem:$0x10A00] =	vst v63  }
0x47: {  	s7 =	simm.s32 $0x10500  }
0x48: {  	[tilespmem:s7], [sflag:$0x1] =	stream.indirect.gather [hbm4b:s6+s19], $0x1, s21, s19, $0xb8;
	[tilespmem:$0x10A00] =	vst v63  }
0x49: {  	s7 =	simm.s32 $0x10700  }
0x4a: {  	[tilespmem:s7], [sflag:$0x1] =	stream.indirect.gather [hbm4b:s1+s19], $0x1, s22, s19, $0xb8;
	[tilespmem:$0x10A00] =	vst v63  }
0x4b: {  	s7 =	simm.s32 $0x6400  }
0x4c: {  	[tilespmem:s7], [sflag:$0x1] =	stream.indirect.gather [hbm4b:s4+s19], $0x40, s23, s19, $0xb8;
	[tilespmem:$0x10A00] =	vst v63  }
0x4d: {  	s7 =	simm.s32 $0xE400  }
0x4e: {  	[tilespmem:s7], [sflag:$0x1] =	stream.indirect.gather [hbm4b:s5+s19], $0x40, s24, s19, $0xb8;
	[tilespmem:$0x10A00] =	vst v63  }
0x4f: {  	s7 =	simm.s32 $0x10580  }
0x50: {  	[tilespmem:s7], [sflag:$0x1] =	stream.indirect.gather [hbm4b:s6+s19], $0x1, s23, s19, $0xb8;
	[tilespmem:$0x10A00] =	vst v63  }
0x51: {  	s7 =	simm.s32 $0x10780  }
0x52: {  	[tilespmem:s7], [sflag:$0x1] =	stream.indirect.gather [hbm4b:s1+s19], $0x1, s24, s19, $0xb8;
	[tilespmem:$0x10A00] =	vst v63  }
0x53: {  	_ =	swait.ge [sflag:s30], $0x2000  }
0x54: {  	[sflag:s30] =	ssyncset.done $0x0  }
0x55: {  	[sflag:s30] =	ssyncadd.s32 $0xFFFFE000  }
0x56: {  	_ =	swait.ge [sflag:s30], $0x2000  }
0x57: {  	[sflag:s30] =	ssyncset.done $0x0  }
0x58: {  	[sflag:s30] =	ssyncadd.s32 $0xFFFFE000  }
0x59: {  	_ =	swait.ge [sflag:s30], $0x80  }
0x5a: {  	[sflag:s30] =	ssyncset.done $0x0  }
0x5b: {  	[sflag:s30] =	ssyncadd.s32 $0xFFFFFF80  }
0x5c: {  	_ =	swait.ge [sflag:s30], $0x80  }
0x5d: {  	[sflag:s30] =	ssyncset.done $0x0  }
0x5e: {  	[sflag:s30] =	ssyncadd.s32 $0xFFFFFF80  }
0x5f: {  	_ =	swait.ge [sflag:s30], $0x2000  }
0x60: {  	[sflag:s30] =	ssyncset.done $0x0  }
0x61: {  	[sflag:s30] =	ssyncadd.s32 $0xFFFFE000  }
0x62: {  	_ =	swait.ge [sflag:s30], $0x2000  }
0x63: {  	[sflag:s30] =	ssyncset.done $0x0  }
0x64: {  	[sflag:s30] =	ssyncadd.s32 $0xFFFFE000  }
0x65: {  	_ =	swait.ge [sflag:s30], $0x80  }
0x66: {  	[sflag:s30] =	ssyncset.done $0x0  }
0x67: {  	[sflag:s30] =	ssyncadd.s32 $0xFFFFFF80  }
0x68: {  	_ =	swait.ge [sflag:s30], $0x80  }
0x69: {  	[sflag:s30] =	ssyncset.done $0x0  }
0x6a: {  	[sflag:s30] =	ssyncadd.s32 $0xFFFFFF80  }
0x6b: {  	_ =	swait.ge [sflag:s30], $0x2000  }
0x6c: {  	[sflag:s30] =	ssyncset.done $0x0  }
0x6d: {  	[sflag:s30] =	ssyncadd.s32 $0xFFFFE000  }
0x6e: {  	_ =	swait.ge [sflag:s30], $0x2000  }
0x6f: {  	[sflag:s30] =	ssyncset.done $0x0  }
0x70: {  	[sflag:s30] =	ssyncadd.s32 $0xFFFFE000  }
0x71: {  	_ =	swait.ge [sflag:s30], $0x80  }
0x72: {  	[sflag:s30] =	ssyncset.done $0x0  }
0x73: {  	[sflag:s30] =	ssyncadd.s32 $0xFFFFFF80  }
0x74: {  	_ =	swait.ge [sflag:s30], $0x80  }
0x75: {  	[sflag:s30] =	ssyncset.done $0x0  }
0x76: {  	[sflag:s30] =	ssyncadd.s32 $0xFFFFFF80  }
0x77: {  	_ =	swait.ge [sflag:s30], $0x2000  }
0x78: {  	[sflag:s30] =	ssyncset.done $0x0  }
0x79: {  	[sflag:s30] =	ssyncadd.s32 $0xFFFFE000  }
0x7a: {  	_ =	swait.ge [sflag:s30], $0x2000  }
0x7b: {  	[sflag:s30] =	ssyncset.done $0x0  }
0x7c: {  	[sflag:s30] =	ssyncadd.s32 $0xFFFFE000  }
0x7d: {  	v2 =	vor.u32 s2, v0;
	_ =	swait.ge [sflag:s30], $0x80  }
0x7e: {  	v3 =	vand.u32 v1, v2;
	[sflag:s30] =	ssyncset.done $0x0  }
0x7f: {  	[sflag:s30] =	ssyncadd.s32 $0xFFFFFF80  }
0x80: {  	v2 =	vshll.u32 v2, $0x6;
	_ =	swait.ge [sflag:s30], $0x80  }
0x81: {  	[sflag:s30] =	ssyncset.done $0x0  }
0x82: {  	v4 =	vor.u32 $0x1, v2;
	[sflag:s30] =	ssyncadd.s32 $0xFFFFFF80  }
0x83: {  	v5 =	vld.idx.msk [tilespmem:v3+s29+$0x0], $0xffff  }
0x84: {  	v6 =	vor.u32 $0x2, v2;
	v3 =	vld.idx.msk [tilespmem:v3+s28+$0x0], $0xffff  }
0x85: {  	v7 =	vld.idx.msk [tilespmem:v2+s25+$0x0], $0xffff  }
0x86: {  	v9 =	vor.u32 $0x3, v2;
	v8 =	vld.idx.msk [tilespmem:v2+s26+$0x0], $0xffff  }
0x87: {  	v10 =	vld.idx.msk [tilespmem:v4+s25+$0x0], $0xffff  }
0x88: {  	v11 =	vor.u32 $0x4, v2;
	v4 =	vld.idx.msk [tilespmem:v4+s26+$0x0], $0xffff  }
0x89: {  	v12 =	vld.idx.msk [tilespmem:v6+s25+$0x0], $0xffff  }
0x8a: {  	v13 =	vor.u32 $0x5, v2;
	v6 =	vld.idx.msk [tilespmem:v6+s26+$0x0], $0xffff  }
0x8b: {  	v14 =	vld.idx.msk [tilespmem:v9+s25+$0x0], $0xffff;
	v3 =	vadd.f32 v5, v3;
	v5 =	vmul.f32 v8, v7  }
0x8c: {  	v63 =	vor.u32 $0x6, v2;
	v7 =	vld.idx.msk [tilespmem:v9+s26+$0x0], $0xffff  }
0x8d: {  	v16 =	vld.idx.msk [tilespmem:v11+s25+$0x0], $0xffff;
	v4 =	vmul.f32 v4, v10;
	v3 =	vadd.f32 v5, v3  }
0x8e: {  	v17 =	vor.u32 $0x7, v2;
	v5 =	vld.idx.msk [tilespmem:v11+s26+$0x0], $0xffff  }
0x8f: {  	v18 =	vld.idx.msk [tilespmem:v13+s25+$0x0], $0xffff;
	v3 =	vadd.f32 v4, v3;
	v4 =	vmul.f32 v6, v12  }
0x90: {  	v19 =	vor.u32 $0x8, v2;
	v6 =	vld.idx.msk [tilespmem:v13+s26+$0x0], $0xffff  }
0x91: {  	v20 =	vld.idx.msk [tilespmem:v63+s25+$0x0], $0xffff;
	v3 =	vadd.f32 v4, v3;
	v4 =	vmul.f32 v7, v14  }
0x92: {  	v21 =	vor.u32 $0x9, v2;
	v7 =	vld.idx.msk [tilespmem:v63+s26+$0x0], $0xffff  }
0x93: {  	v22 =	vld.idx.msk [tilespmem:v17+s25+$0x0], $0xffff;
	v3 =	vadd.f32 v4, v3;
	v4 =	vmul.f32 v5, v16  }
0x94: {  	v23 =	vor.u32 $0xA, v2;
	v5 =	vld.idx.msk [tilespmem:v17+s26+$0x0], $0xffff  }
0x95: {  	v24 =	vld.idx.msk [tilespmem:v19+s25+$0x0], $0xffff;
	v3 =	vadd.f32 v4, v3;
	v4 =	vmul.f32 v6, v18  }
0x96: {  	v25 =	vor.u32 $0xB, v2;
	v6 =	vld.idx.msk [tilespmem:v19+s26+$0x0], $0xffff  }
0x97: {  	v26 =	vld.idx.msk [tilespmem:v21+s25+$0x0], $0xffff;
	v3 =	vadd.f32 v4, v3;
	v4 =	vmul.f32 v7, v20  }
0x98: {  	v27 =	vor.u32 $0xC, v2;
	v7 =	vld.idx.msk [tilespmem:v21+s26+$0x0], $0xffff  }
0x99: {  	v28 =	vld.idx.msk [tilespmem:v23+s25+$0x0], $0xffff;
	v3 =	vadd.f32 v4, v3;
	v4 =	vmul.f32 v5, v22  }
0x9a: {  	v29 =	vor.u32 $0xD, v2;
	v5 =	vld.idx.msk [tilespmem:v23+s26+$0x0], $0xffff  }
0x9b: {  	v30 =	vld.idx.msk [tilespmem:v25+s25+$0x0], $0xffff;
	v3 =	vadd.f32 v4, v3;
	v4 =	vmul.f32 v6, v24  }
0x9c: {  	v31 =	vor.u32 $0xE, v2;
	v6 =	vld.idx.msk [tilespmem:v25+s26+$0x0], $0xffff  }
0x9d: {  	v32 =	vld.idx.msk [tilespmem:v27+s25+$0x0], $0xffff;
	v3 =	vadd.f32 v4, v3;
	v4 =	vmul.f32 v7, v26  }
0x9e: {  	v33 =	vor.u32 $0xF, v2;
	v7 =	vld.idx.msk [tilespmem:v27+s26+$0x0], $0xffff  }
0x9f: {  	v34 =	vld.idx.msk [tilespmem:v29+s25+$0x0], $0xffff;
	v3 =	vadd.f32 v4, v3;
	v4 =	vmul.f32 v5, v28  }
0xa0: {  	v35 =	vor.u32 $0x10, v2;
	v5 =	vld.idx.msk [tilespmem:v29+s26+$0x0], $0xffff  }
0xa1: {  	v36 =	vld.idx.msk [tilespmem:v31+s25+$0x0], $0xffff;
	v3 =	vadd.f32 v4, v3;
	v4 =	vmul.f32 v6, v30  }
0xa2: {  	v37 =	vor.u32 $0x11, v2;
	v6 =	vld.idx.msk [tilespmem:v31+s26+$0x0], $0xffff  }
0xa3: {  	v38 =	vld.idx.msk [tilespmem:v33+s25+$0x0], $0xffff;
	v3 =	vadd.f32 v4, v3;
	v4 =	vmul.f32 v7, v32  }
0xa4: {  	v39 =	vor.u32 $0x12, v2;
	v7 =	vld.idx.msk [tilespmem:v33+s26+$0x0], $0xffff  }
0xa5: {  	v40 =	vld.idx.msk [tilespmem:v35+s25+$0x0], $0xffff;
	v3 =	vadd.f32 v4, v3;
	v4 =	vmul.f32 v5, v34  }
0xa6: {  	v41 =	vor.u32 $0x13, v2;
	v5 =	vld.idx.msk [tilespmem:v35+s26+$0x0], $0xffff  }
0xa7: {  	v42 =	vld.idx.msk [tilespmem:v37+s25+$0x0], $0xffff;
	v3 =	vadd.f32 v4, v3;
	v4 =	vmul.f32 v6, v36  }
0xa8: {  	v43 =	vor.u32 $0x14, v2;
	v6 =	vld.idx.msk [tilespmem:v37+s26+$0x0], $0xffff  }
0xa9: {  	v44 =	vld.idx.msk [tilespmem:v39+s25+$0x0], $0xffff;
	v3 =	vadd.f32 v4, v3;
	v4 =	vmul.f32 v7, v38  }
0xaa: {  	v45 =	vor.u32 $0x15, v2;
	v7 =	vld.idx.msk [tilespmem:v39+s26+$0x0], $0xffff  }
0xab: {  	v46 =	vld.idx.msk [tilespmem:v41+s25+$0x0], $0xffff;
	v3 =	vadd.f32 v4, v3;
	v4 =	vmul.f32 v5, v40  }
0xac: {  	v47 =	vor.u32 $0x16, v2;
	v5 =	vld.idx.msk [tilespmem:v41+s26+$0x0], $0xffff  }
0xad: {  	v48 =	vld.idx.msk [tilespmem:v43+s25+$0x0], $0xffff;
	v3 =	vadd.f32 v4, v3;
	v4 =	vmul.f32 v6, v42  }
0xae: {  	v49 =	vor.u32 $0x17, v2;
	v6 =	vld.idx.msk [tilespmem:v43+s26+$0x0], $0xffff  }
0xaf: {  	v50 =	vld.idx.msk [tilespmem:v45+s25+$0x0], $0xffff;
	v3 =	vadd.f32 v4, v3;
	v4 =	vmul.f32 v7, v44  }
0xb0: {  	v51 =	vor.u32 $0x18, v2;
	v7 =	vld.idx.msk [tilespmem:v45+s26+$0x0], $0xffff  }
0xb1: {  	v52 =	vld.idx.msk [tilespmem:v47+s25+$0x0], $0xffff;
	v3 =	vadd.f32 v4, v3;
	v4 =	vmul.f32 v5, v46  }
0xb2: {  	v53 =	vor.u32 $0x19, v2;
	v5 =	vld.idx.msk [tilespmem:v47+s26+$0x0], $0xffff  }
0xb3: {  	v54 =	vld.idx.msk [tilespmem:v49+s25+$0x0], $0xffff;
	v3 =	vadd.f32 v4, v3;
	v4 =	vmul.f32 v6, v48  }
0xb4: {  	v55 =	vor.u32 $0x1A, v2;
	v6 =	vld.idx.msk [tilespmem:v49+s26+$0x0], $0xffff  }
0xb5: {  	v56 =	vld.idx.msk [tilespmem:v51+s25+$0x0], $0xffff;
	v3 =	vadd.f32 v4, v3;
	v4 =	vmul.f32 v7, v50  }
0xb6: {  	v57 =	vor.u32 $0x1B, v2;
	v7 =	vld.idx.msk [tilespmem:v51+s26+$0x0], $0xffff  }
0xb7: {  	v58 =	vld.idx.msk [tilespmem:v53+s25+$0x0], $0xffff;
	v3 =	vadd.f32 v4, v3;
	v4 =	vmul.f32 v5, v52  }
0xb8: {  	v59 =	vor.u32 $0x1C, v2;
	v5 =	vld.idx.msk [tilespmem:v53+s26+$0x0], $0xffff  }
0xb9: {  	v60 =	vld.idx.msk [tilespmem:v55+s25+$0x0], $0xffff;
	v3 =	vadd.f32 v4, v3;
	v4 =	vmul.f32 v6, v54  }
0xba: {  	v61 =	vor.u32 $0x1D, v2;
	v6 =	vld.idx.msk [tilespmem:v55+s26+$0x0], $0xffff  }
0xbb: {  	v62 =	vld.idx.msk [tilespmem:v57+s25+$0x0], $0xffff;
	v3 =	vadd.f32 v4, v3;
	v4 =	vmul.f32 v7, v56  }
0xbc: {  	v63 =	vor.u32 $0x1E, v2;
	v7 =	vld.idx.msk [tilespmem:v57+s26+$0x0], $0xffff  }
0xbd: {  	v16 =	vld.idx.msk [tilespmem:v59+s25+$0x0], $0xffff;
	v3 =	vadd.f32 v4, v3;
	v4 =	vmul.f32 v5, v58  }
0xbe: {  	v17 =	vor.u32 $0x1F, v2;
	v5 =	vld.idx.msk [tilespmem:v59+s26+$0x0], $0xffff  }
0xbf: {  	v18 =	vld.idx.msk [tilespmem:v61+s25+$0x0], $0xffff;
	v3 =	vadd.f32 v4, v3;
	v4 =	vmul.f32 v6, v60  }
0xc0: {  	v19 =	vor.u32 $0x20, v2;
	v6 =	vld.idx.msk [tilespmem:v61+s26+$0x0], $0xffff  }
0xc1: {  	v20 =	vld.idx.msk [tilespmem:v63+s25+$0x0], $0xffff;
	v3 =	vadd.f32 v4, v3;
	v4 =	vmul.f32 v7, v62  }
0xc2: {  	v21 =	vor.u32 $0x21, v2;
	v7 =	vld.idx.msk [tilespmem:v63+s26+$0x0], $0xffff  }
0xc3: {  	v22 =	vld.idx.msk [tilespmem:v17+s25+$0x0], $0xffff;
	v3 =	vadd.f32 v4, v3;
	v4 =	vmul.f32 v5, v16  }
0xc4: {  	v23 =	vor.u32 $0x22, v2;
	v5 =	vld.idx.msk [tilespmem:v17+s26+$0x0], $0xffff  }
0xc5: {  	v24 =	vld.idx.msk [tilespmem:v19+s25+$0x0], $0xffff;
	v3 =	vadd.f32 v4, v3;
	v4 =	vmul.f32 v6, v18  }
0xc6: {  	v25 =	vor.u32 $0x23, v2;
	v6 =	vld.idx.msk [tilespmem:v19+s26+$0x0], $0xffff  }
0xc7: {  	v26 =	vld.idx.msk [tilespmem:v21+s25+$0x0], $0xffff;
	v3 =	vadd.f32 v4, v3;
	v4 =	vmul.f32 v7, v20  }
0xc8: {  	v27 =	vor.u32 $0x24, v2;
	v7 =	vld.idx.msk [tilespmem:v21+s26+$0x0], $0xffff  }
0xc9: {  	v28 =	vld.idx.msk [tilespmem:v23+s25+$0x0], $0xffff;
	v3 =	vadd.f32 v4, v3;
	v4 =	vmul.f32 v5, v22  }
0xca: {  	v29 =	vor.u32 $0x25, v2;
	v5 =	vld.idx.msk [tilespmem:v23+s26+$0x0], $0xffff  }
0xcb: {  	v30 =	vld.idx.msk [tilespmem:v25+s25+$0x0], $0xffff;
	v3 =	vadd.f32 v4, v3;
	v4 =	vmul.f32 v6, v24  }
0xcc: {  	v31 =	vor.u32 $0x26, v2;
	v6 =	vld.idx.msk [tilespmem:v25+s26+$0x0], $0xffff  }
0xcd: {  	v32 =	vld.idx.msk [tilespmem:v27+s25+$0x0], $0xffff;
	v3 =	vadd.f32 v4, v3;
	v4 =	vmul.f32 v7, v26  }
0xce: {  	v33 =	vor.u32 $0x27, v2;
	v7 =	vld.idx.msk [tilespmem:v27+s26+$0x0], $0xffff  }
0xcf: {  	v34 =	vld.idx.msk [tilespmem:v29+s25+$0x0], $0xffff;
	v3 =	vadd.f32 v4, v3;
	v4 =	vmul.f32 v5, v28  }
0xd0: {  	v35 =	vor.u32 $0x28, v2;
	v5 =	vld.idx.msk [tilespmem:v29+s26+$0x0], $0xffff  }
0xd1: {  	v36 =	vld.idx.msk [tilespmem:v31+s25+$0x0], $0xffff;
	v3 =	vadd.f32 v4, v3;
	v4 =	vmul.f32 v6, v30  }
0xd2: {  	v37 =	vor.u32 $0x29, v2;
	v6 =	vld.idx.msk [tilespmem:v31+s26+$0x0], $0xffff  }
0xd3: {  	v38 =	vld.idx.msk [tilespmem:v33+s25+$0x0], $0xffff;
	v3 =	vadd.f32 v4, v3;
	v4 =	vmul.f32 v7, v32  }
0xd4: {  	v39 =	vor.u32 $0x2A, v2;
	v7 =	vld.idx.msk [tilespmem:v33+s26+$0x0], $0xffff  }
0xd5: {  	v40 =	vld.idx.msk [tilespmem:v35+s25+$0x0], $0xffff;
	v3 =	vadd.f32 v4, v3;
	v4 =	vmul.f32 v5, v34  }
0xd6: {  	v41 =	vor.u32 $0x2B, v2;
	v5 =	vld.idx.msk [tilespmem:v35+s26+$0x0], $0xffff  }
0xd7: {  	v42 =	vld.idx.msk [tilespmem:v37+s25+$0x0], $0xffff;
	v3 =	vadd.f32 v4, v3;
	v4 =	vmul.f32 v6, v36  }
0xd8: {  	v43 =	vor.u32 $0x2C, v2;
	v6 =	vld.idx.msk [tilespmem:v37+s26+$0x0], $0xffff  }
0xd9: {  	v44 =	vld.idx.msk [tilespmem:v39+s25+$0x0], $0xffff;
	v3 =	vadd.f32 v4, v3;
	v4 =	vmul.f32 v7, v38  }
0xda: {  	v45 =	vor.u32 $0x2D, v2;
	v7 =	vld.idx.msk [tilespmem:v39+s26+$0x0], $0xffff  }
0xdb: {  	v46 =	vld.idx.msk [tilespmem:v41+s25+$0x0], $0xffff;
	v3 =	vadd.f32 v4, v3;
	v4 =	vmul.f32 v5, v40  }
0xdc: {  	v47 =	vor.u32 $0x2E, v2;
	v5 =	vld.idx.msk [tilespmem:v41+s26+$0x0], $0xffff  }
0xdd: {  	v48 =	vld.idx.msk [tilespmem:v43+s25+$0x0], $0xffff;
	v3 =	vadd.f32 v4, v3;
	v4 =	vmul.f32 v6, v42  }
0xde: {  	v49 =	vor.u32 $0x2F, v2;
	v6 =	vld.idx.msk [tilespmem:v43+s26+$0x0], $0xffff  }
0xdf: {  	v50 =	vld.idx.msk [tilespmem:v45+s25+$0x0], $0xffff;
	v3 =	vadd.f32 v4, v3;
	v4 =	vmul.f32 v7, v44  }
0xe0: {  	v51 =	vor.u32 $0x30, v2;
	v7 =	vld.idx.msk [tilespmem:v45+s26+$0x0], $0xffff  }
0xe1: {  	v52 =	vld.idx.msk [tilespmem:v47+s25+$0x0], $0xffff;
	v3 =	vadd.f32 v4, v3;
	v4 =	vmul.f32 v5, v46  }
0xe2: {  	v53 =	vor.u32 $0x31, v2;
	v5 =	vld.idx.msk [tilespmem:v47+s26+$0x0], $0xffff  }
0xe3: {  	v54 =	vld.idx.msk [tilespmem:v49+s25+$0x0], $0xffff;
	v3 =	vadd.f32 v4, v3;
	v4 =	vmul.f32 v6, v48  }
0xe4: {  	v55 =	vor.u32 $0x32, v2;
	v6 =	vld.idx.msk [tilespmem:v49+s26+$0x0], $0xffff  }
0xe5: {  	v56 =	vld.idx.msk [tilespmem:v51+s25+$0x0], $0xffff;
	v3 =	vadd.f32 v4, v3;
	v4 =	vmul.f32 v7, v50  }
0xe6: {  	v57 =	vor.u32 $0x33, v2;
	v7 =	vld.idx.msk [tilespmem:v51+s26+$0x0], $0xffff  }
0xe7: {  	v58 =	vld.idx.msk [tilespmem:v53+s25+$0x0], $0xffff;
	v3 =	vadd.f32 v4, v3;
	v4 =	vmul.f32 v5, v52  }
0xe8: {  	v59 =	vor.u32 $0x34, v2;
	v5 =	vld.idx.msk [tilespmem:v53+s26+$0x0], $0xffff  }
0xe9: {  	v60 =	vld.idx.msk [tilespmem:v55+s25+$0x0], $0xffff;
	v3 =	vadd.f32 v4, v3;
	v4 =	vmul.f32 v6, v54  }
0xea: {  	v61 =	vor.u32 $0x35, v2;
	v6 =	vld.idx.msk [tilespmem:v55+s26+$0x0], $0xffff  }
0xeb: {  	v62 =	vld.idx.msk [tilespmem:v57+s25+$0x0], $0xffff;
	v3 =	vadd.f32 v4, v3;
	v4 =	vmul.f32 v7, v56  }
0xec: {  	v63 =	vor.u32 $0x36, v2;
	v7 =	vld.idx.msk [tilespmem:v57+s26+$0x0], $0xffff  }
0xed: {  	v16 =	vld.idx.msk [tilespmem:v59+s25+$0x0], $0xffff;
	v3 =	vadd.f32 v4, v3;
	v4 =	vmul.f32 v5, v58  }
0xee: {  	v17 =	vor.u32 $0x37, v2;
	v5 =	vld.idx.msk [tilespmem:v59+s26+$0x0], $0xffff  }
0xef: {  	v18 =	vld.idx.msk [tilespmem:v61+s25+$0x0], $0xffff;
	v3 =	vadd.f32 v4, v3;
	v4 =	vmul.f32 v6, v60  }
0xf0: {  	v19 =	vor.u32 $0x38, v2;
	v6 =	vld.idx.msk [tilespmem:v61+s26+$0x0], $0xffff  }
0xf1: {  	v20 =	vld.idx.msk [tilespmem:v63+s25+$0x0], $0xffff;
	v3 =	vadd.f32 v4, v3;
	v4 =	vmul.f32 v7, v62  }
0xf2: {  	v21 =	vor.u32 $0x39, v2;
	v7 =	vld.idx.msk [tilespmem:v63+s26+$0x0], $0xffff  }
0xf3: {  	v22 =	vld.idx.msk [tilespmem:v17+s25+$0x0], $0xffff;
	v3 =	vadd.f32 v4, v3;
	v4 =	vmul.f32 v5, v16  }
0xf4: {  	v23 =	vor.u32 $0x3A, v2;
	v5 =	vld.idx.msk [tilespmem:v17+s26+$0x0], $0xffff  }
0xf5: {  	v24 =	vld.idx.msk [tilespmem:v19+s25+$0x0], $0xffff;
	v3 =	vadd.f32 v4, v3;
	v4 =	vmul.f32 v6, v18  }
0xf6: {  	v25 =	vor.u32 $0x3B, v2;
	v6 =	vld.idx.msk [tilespmem:v19+s26+$0x0], $0xffff  }
0xf7: {  	v26 =	vld.idx.msk [tilespmem:v21+s25+$0x0], $0xffff;
	v3 =	vadd.f32 v4, v3;
	v4 =	vmul.f32 v7, v20  }
0xf8: {  	v27 =	vor.u32 $0x3C, v2;
	v7 =	vld.idx.msk [tilespmem:v21+s26+$0x0], $0xffff  }
0xf9: {  	v28 =	vld.idx.msk [tilespmem:v23+s25+$0x0], $0xffff;
	v3 =	vadd.f32 v4, v3;
	v4 =	vmul.f32 v5, v22  }
0xfa: {  	v29 =	vor.u32 $0x3D, v2;
	v5 =	vld.idx.msk [tilespmem:v23+s26+$0x0], $0xffff  }
0xfb: {  	v30 =	vld.idx.msk [tilespmem:v25+s25+$0x0], $0xffff;
	v3 =	vadd.f32 v4, v3;
	v4 =	vmul.f32 v6, v24  }
0xfc: {  	v31 =	vor.u32 $0x3E, v2;
	v6 =	vld.idx.msk [tilespmem:v25+s26+$0x0], $0xffff  }
0xfd: {  	v32 =	vld.idx.msk [tilespmem:v27+s25+$0x0], $0xffff;
	v3 =	vadd.f32 v4, v3;
	v4 =	vmul.f32 v7, v26  }
0xfe: {  	v2 =	vor.u32 $0x3F, v2;
	v7 =	vld.idx.msk [tilespmem:v27+s26+$0x0], $0xffff  }
0xff: {  	v33 =	vld.idx.msk [tilespmem:v29+s25+$0x0], $0xffff;
	v3 =	vadd.f32 v4, v3;
	v4 =	vmul.f32 v5, v28  }
0x100: {  	v5 =	vld.idx.msk [tilespmem:v29+s26+$0x0], $0xffff  }
0x101: {  	v34 =	vld.idx.msk [tilespmem:v31+s25+$0x0], $0xffff;
	v3 =	vadd.f32 v4, v3;
	v4 =	vmul.f32 v6, v30  }
0x102: {  	v6 =	vld.idx.msk [tilespmem:v31+s26+$0x0], $0xffff  }
0x103: {  	v35 =	vld.idx.msk [tilespmem:v2+s25+$0x0], $0xffff;
	v3 =	vadd.f32 v4, v3;
	v4 =	vmul.f32 v7, v32  }
0x104: {  	v2 =	vld.idx.msk [tilespmem:v2+s26+$0x0], $0xffff  }
0x105: {  	v3 =	vadd.f32 v4, v3;
	v4 =	vmul.f32 v5, v33;
	_ =	sdelay $0x1  }
0x106: {  	s7 =	simm.s32 $0x10;
	v3 =	vadd.f32 v4, v3;
	v4 =	vmul.f32 v6, v34  }
0x107: {  	v5 =	vor.u32 s7, v0  }
0x108: {  	v6 =	vand.u32 v1, v5;
	v3 =	vadd.f32 v4, v3;
	v4 =	vmul.f32 v2, v35;
	_ =	sdelay $0x1  }
0x109: {  	v2 =	vshll.u32 v5, $0x6;
	v3 =	vadd.f32 v4, v3;
	_ =	sdelay $0x1  }
0x10a: {  	v37 =	vor.u32 $0x3, v2;
	[tilespmem:s31+$0x0] =	vst v3  }
0x10b: {  	v4 =	vor.u32 $0x1, v2;
	v3 =	vld.idx.msk [tilespmem:v6+s29+$0x0], $0xffff  }
0x10c: {  	v5 =	vld.idx.msk [tilespmem:v6+s28+$0x0], $0xffff  }
0x10d: {  	v6 =	vor.u32 $0x2, v2;
	v7 =	vld.idx.msk [tilespmem:v2+s25+$0x0], $0xffff  }
0x10e: {  	v36 =	vld.idx.msk [tilespmem:v2+s26+$0x0], $0xffff  }
0x10f: {  	v39 =	vor.u32 $0x4, v2;
	v42 =	vld.idx.msk [tilespmem:v37+s25+$0x0], $0xffff  }
0x110: {  	v38 =	vld.idx.msk [tilespmem:v4+s25+$0x0], $0xffff  }
0x111: {  	v41 =	vor.u32 $0x5, v2;
	v4 =	vld.idx.msk [tilespmem:v4+s26+$0x0], $0xffff  }
0x112: {  	v40 =	vld.idx.msk [tilespmem:v6+s25+$0x0], $0xffff  }
0x113: {  	v43 =	vor.u32 $0x6, v2;
	v6 =	vld.idx.msk [tilespmem:v6+s26+$0x0], $0xffff  }
0x114: {  	v44 =	vld.idx.msk [tilespmem:v39+s25+$0x0], $0xffff;
	v3 =	vadd.f32 v3, v5;
	v5 =	vmul.f32 v36, v7  }
0x115: {  	v45 =	vor.u32 $0x7, v2;
	v7 =	vld.idx.msk [tilespmem:v37+s26+$0x0], $0xffff  }
0x116: {  	v46 =	vld.idx.msk [tilespmem:v41+s25+$0x0], $0xffff;
	v3 =	vadd.f32 v5, v3;
	v4 =	vmul.f32 v4, v38  }
0x117: {  	v47 =	vor.u32 $0x8, v2;
	v5 =	vld.idx.msk [tilespmem:v39+s26+$0x0], $0xffff  }
0x118: {  	v48 =	vld.idx.msk [tilespmem:v43+s25+$0x0], $0xffff;
	v3 =	vadd.f32 v4, v3;
	v4 =	vmul.f32 v6, v40  }
0x119: {  	v49 =	vor.u32 $0x9, v2;
	v6 =	vld.idx.msk [tilespmem:v41+s26+$0x0], $0xffff  }
0x11a: {  	v50 =	vld.idx.msk [tilespmem:v45+s25+$0x0], $0xffff;
	v3 =	vadd.f32 v4, v3;
	v4 =	vmul.f32 v7, v42  }
0x11b: {  	v51 =	vor.u32 $0xA, v2;
	v7 =	vld.idx.msk [tilespmem:v43+s26+$0x0], $0xffff  }
0x11c: {  	v52 =	vld.idx.msk [tilespmem:v47+s25+$0x0], $0xffff;
	v3 =	vadd.f32 v4, v3;
	v4 =	vmul.f32 v5, v44  }
0x11d: {  	v53 =	vor.u32 $0xB, v2;
	v5 =	vld.idx.msk [tilespmem:v45+s26+$0x0], $0xffff  }
0x11e: {  	v54 =	vld.idx.msk [tilespmem:v49+s25+$0x0], $0xffff;
	v3 =	vadd.f32 v4, v3;
	v4 =	vmul.f32 v6, v46  }
0x11f: {  	v55 =	vor.u32 $0xC, v2;
	v6 =	vld.idx.msk [tilespmem:v47+s26+$0x0], $0xffff  }
0x120: {  	v56 =	vld.idx.msk [tilespmem:v51+s25+$0x0], $0xffff;
	v3 =	vadd.f32 v4, v3;
	v4 =	vmul.f32 v7, v48  }
0x121: {  	v57 =	vor.u32 $0xD, v2;
	v7 =	vld.idx.msk [tilespmem:v49+s26+$0x0], $0xffff  }
0x122: {  	v58 =	vld.idx.msk [tilespmem:v53+s25+$0x0], $0xffff;
	v3 =	vadd.f32 v4, v3;
	v4 =	vmul.f32 v5, v50  }
0x123: {  	v59 =	vor.u32 $0xE, v2;
	v5 =	vld.idx.msk [tilespmem:v51+s26+$0x0], $0xffff  }
0x124: {  	v60 =	vld.idx.msk [tilespmem:v55+s25+$0x0], $0xffff;
	v3 =	vadd.f32 v4, v3;
	v4 =	vmul.f32 v6, v52  }
0x125: {  	v61 =	vor.u32 $0xF, v2;
	v6 =	vld.idx.msk [tilespmem:v53+s26+$0x0], $0xffff  }
0x126: {  	v62 =	vld.idx.msk [tilespmem:v57+s25+$0x0], $0xffff;
	v3 =	vadd.f32 v4, v3;
	v4 =	vmul.f32 v7, v54  }
0x127: {  	v63 =	vor.u32 $0x10, v2;
	v7 =	vld.idx.msk [tilespmem:v55+s26+$0x0], $0xffff  }
0x128: {  	v16 =	vld.idx.msk [tilespmem:v59+s25+$0x0], $0xffff;
	v3 =	vadd.f32 v4, v3;
	v4 =	vmul.f32 v5, v56  }
0x129: {  	v17 =	vor.u32 $0x11, v2;
	v5 =	vld.idx.msk [tilespmem:v57+s26+$0x0], $0xffff  }
0x12a: {  	v18 =	vld.idx.msk [tilespmem:v61+s25+$0x0], $0xffff;
	v3 =	vadd.f32 v4, v3;
	v4 =	vmul.f32 v6, v58  }
0x12b: {  	v19 =	vor.u32 $0x12, v2;
	v6 =	vld.idx.msk [tilespmem:v59+s26+$0x0], $0xffff  }
0x12c: {  	v20 =	vld.idx.msk [tilespmem:v63+s25+$0x0], $0xffff;
	v3 =	vadd.f32 v4, v3;
	v4 =	vmul.f32 v7, v60  }
0x12d: {  	v21 =	vor.u32 $0x13, v2;
	v7 =	vld.idx.msk [tilespmem:v61+s26+$0x0], $0xffff  }
0x12e: {  	v22 =	vld.idx.msk [tilespmem:v17+s25+$0x0], $0xffff;
	v3 =	vadd.f32 v4, v3;
	v4 =	vmul.f32 v5, v62  }
0x12f: {  	v23 =	vor.u32 $0x14, v2;
	v5 =	vld.idx.msk [tilespmem:v63+s26+$0x0], $0xffff  }
0x130: {  	v24 =	vld.idx.msk [tilespmem:v19+s25+$0x0], $0xffff;
	v3 =	vadd.f32 v4, v3;
	v4 =	vmul.f32 v6, v16  }
0x131: {  	v25 =	vor.u32 $0x15, v2;
	v6 =	vld.idx.msk [tilespmem:v17+s26+$0x0], $0xffff  }
0x132: {  	v26 =	vld.idx.msk [tilespmem:v21+s25+$0x0], $0xffff;
	v3 =	vadd.f32 v4, v3;
	v4 =	vmul.f32 v7, v18  }
0x133: {  	v27 =	vor.u32 $0x16, v2;
	v7 =	vld.idx.msk [tilespmem:v19+s26+$0x0], $0xffff  }
0x134: {  	v28 =	vld.idx.msk [tilespmem:v23+s25+$0x0], $0xffff;
	v3 =	vadd.f32 v4, v3;
	v4 =	vmul.f32 v5, v20  }
0x135: {  	v29 =	vor.u32 $0x17, v2;
	v5 =	vld.idx.msk [tilespmem:v21+s26+$0x0], $0xffff  }
0x136: {  	v30 =	vld.idx.msk [tilespmem:v25+s25+$0x0], $0xffff;
	v3 =	vadd.f32 v4, v3;
	v4 =	vmul.f32 v6, v22  }
0x137: {  	v31 =	vor.u32 $0x18, v2;
	v6 =	vld.idx.msk [tilespmem:v23+s26+$0x0], $0xffff  }
0x138: {  	v32 =	vld.idx.msk [tilespmem:v27+s25+$0x0], $0xffff;
	v3 =	vadd.f32 v4, v3;
	v4 =	vmul.f32 v7, v24  }
0x139: {  	v33 =	vor.u32 $0x19, v2;
	v7 =	vld.idx.msk [tilespmem:v25+s26+$0x0], $0xffff  }
0x13a: {  	v34 =	vld.idx.msk [tilespmem:v29+s25+$0x0], $0xffff;
	v3 =	vadd.f32 v4, v3;
	v4 =	vmul.f32 v5, v26  }
0x13b: {  	v35 =	vor.u32 $0x1A, v2;
	v5 =	vld.idx.msk [tilespmem:v27+s26+$0x0], $0xffff  }
0x13c: {  	v36 =	vld.idx.msk [tilespmem:v31+s25+$0x0], $0xffff;
	v3 =	vadd.f32 v4, v3;
	v4 =	vmul.f32 v6, v28  }
0x13d: {  	v37 =	vor.u32 $0x1B, v2;
	v6 =	vld.idx.msk [tilespmem:v29+s26+$0x0], $0xffff  }
0x13e: {  	v38 =	vld.idx.msk [tilespmem:v33+s25+$0x0], $0xffff;
	v3 =	vadd.f32 v4, v3;
	v4 =	vmul.f32 v7, v30  }
0x13f: {  	v39 =	vor.u32 $0x1C, v2;
	v7 =	vld.idx.msk [tilespmem:v31+s26+$0x0], $0xffff  }
0x140: {  	v40 =	vld.idx.msk [tilespmem:v35+s25+$0x0], $0xffff;
	v3 =	vadd.f32 v4, v3;
	v4 =	vmul.f32 v5, v32  }
0x141: {  	v41 =	vor.u32 $0x1D, v2;
	v5 =	vld.idx.msk [tilespmem:v33+s26+$0x0], $0xffff  }
0x142: {  	v42 =	vld.idx.msk [tilespmem:v37+s25+$0x0], $0xffff;
	v3 =	vadd.f32 v4, v3;
	v4 =	vmul.f32 v6, v34  }
0x143: {  	v43 =	vor.u32 $0x1E, v2;
	v6 =	vld.idx.msk [tilespmem:v35+s26+$0x0], $0xffff  }
0x144: {  	v44 =	vld.idx.msk [tilespmem:v39+s25+$0x0], $0xffff;
	v3 =	vadd.f32 v4, v3;
	v4 =	vmul.f32 v7, v36  }
0x145: {  	v45 =	vor.u32 $0x1F, v2;
	v7 =	vld.idx.msk [tilespmem:v37+s26+$0x0], $0xffff  }
0x146: {  	v46 =	vld.idx.msk [tilespmem:v41+s25+$0x0], $0xffff;
	v3 =	vadd.f32 v4, v3;
	v4 =	vmul.f32 v5, v38  }
0x147: {  	v47 =	vor.u32 $0x20, v2;
	v5 =	vld.idx.msk [tilespmem:v39+s26+$0x0], $0xffff  }
0x148: {  	v48 =	vld.idx.msk [tilespmem:v43+s25+$0x0], $0xffff;
	v3 =	vadd.f32 v4, v3;
	v4 =	vmul.f32 v6, v40  }
0x149: {  	v49 =	vor.u32 $0x21, v2;
	v6 =	vld.idx.msk [tilespmem:v41+s26+$0x0], $0xffff  }
0x14a: {  	v50 =	vld.idx.msk [tilespmem:v45+s25+$0x0], $0xffff;
	v3 =	vadd.f32 v4, v3;
	v4 =	vmul.f32 v7, v42  }
0x14b: {  	v51 =	vor.u32 $0x22, v2;
	v7 =	vld.idx.msk [tilespmem:v43+s26+$0x0], $0xffff  }
0x14c: {  	v52 =	vld.idx.msk [tilespmem:v47+s25+$0x0], $0xffff;
	v3 =	vadd.f32 v4, v3;
	v4 =	vmul.f32 v5, v44  }
0x14d: {  	v53 =	vor.u32 $0x23, v2;
	v5 =	vld.idx.msk [tilespmem:v45+s26+$0x0], $0xffff  }
0x14e: {  	v54 =	vld.idx.msk [tilespmem:v49+s25+$0x0], $0xffff;
	v3 =	vadd.f32 v4, v3;
	v4 =	vmul.f32 v6, v46  }
0x14f: {  	v55 =	vor.u32 $0x24, v2;
	v6 =	vld.idx.msk [tilespmem:v47+s26+$0x0], $0xffff  }
0x150: {  	v56 =	vld.idx.msk [tilespmem:v51+s25+$0x0], $0xffff;
	v3 =	vadd.f32 v4, v3;
	v4 =	vmul.f32 v7, v48  }
0x151: {  	v57 =	vor.u32 $0x25, v2;
	v7 =	vld.idx.msk [tilespmem:v49+s26+$0x0], $0xffff  }
0x152: {  	v58 =	vld.idx.msk [tilespmem:v53+s25+$0x0], $0xffff;
	v3 =	vadd.f32 v4, v3;
	v4 =	vmul.f32 v5, v50  }
0x153: {  	v59 =	vor.u32 $0x26, v2;
	v5 =	vld.idx.msk [tilespmem:v51+s26+$0x0], $0xffff  }
0x154: {  	v60 =	vld.idx.msk [tilespmem:v55+s25+$0x0], $0xffff;
	v3 =	vadd.f32 v4, v3;
	v4 =	vmul.f32 v6, v52  }
0x155: {  	v61 =	vor.u32 $0x27, v2;
	v6 =	vld.idx.msk [tilespmem:v53+s26+$0x0], $0xffff  }
0x156: {  	v62 =	vld.idx.msk [tilespmem:v57+s25+$0x0], $0xffff;
	v3 =	vadd.f32 v4, v3;
	v4 =	vmul.f32 v7, v54  }
0x157: {  	v63 =	vor.u32 $0x28, v2;
	v7 =	vld.idx.msk [tilespmem:v55+s26+$0x0], $0xffff  }
0x158: {  	v16 =	vld.idx.msk [tilespmem:v59+s25+$0x0], $0xffff;
	v3 =	vadd.f32 v4, v3;
	v4 =	vmul.f32 v5, v56  }
0x159: {  	v17 =	vor.u32 $0x29, v2;
	v5 =	vld.idx.msk [tilespmem:v57+s26+$0x0], $0xffff  }
0x15a: {  	v18 =	vld.idx.msk [tilespmem:v61+s25+$0x0], $0xffff;
	v3 =	vadd.f32 v4, v3;
	v4 =	vmul.f32 v6, v58  }
0x15b: {  	v19 =	vor.u32 $0x2A, v2;
	v6 =	vld.idx.msk [tilespmem:v59+s26+$0x0], $0xffff  }
0x15c: {  	v20 =	vld.idx.msk [tilespmem:v63+s25+$0x0], $0xffff;
	v3 =	vadd.f32 v4, v3;
	v4 =	vmul.f32 v7, v60  }
0x15d: {  	v21 =	vor.u32 $0x2B, v2;
	v7 =	vld.idx.msk [tilespmem:v61+s26+$0x0], $0xffff  }
0x15e: {  	v22 =	vld.idx.msk [tilespmem:v17+s25+$0x0], $0xffff;
	v3 =	vadd.f32 v4, v3;
	v4 =	vmul.f32 v5, v62  }
0x15f: {  	v23 =	vor.u32 $0x2C, v2;
	v5 =	vld.idx.msk [tilespmem:v63+s26+$0x0], $0xffff  }
0x160: {  	v24 =	vld.idx.msk [tilespmem:v19+s25+$0x0], $0xffff;
	v3 =	vadd.f32 v4, v3;
	v4 =	vmul.f32 v6, v16  }
0x161: {  	v25 =	vor.u32 $0x2D, v2;
	v6 =	vld.idx.msk [tilespmem:v17+s26+$0x0], $0xffff  }
0x162: {  	v26 =	vld.idx.msk [tilespmem:v21+s25+$0x0], $0xffff;
	v3 =	vadd.f32 v4, v3;
	v4 =	vmul.f32 v7, v18  }
0x163: {  	v27 =	vor.u32 $0x2E, v2;
	v7 =	vld.idx.msk [tilespmem:v19+s26+$0x0], $0xffff  }
0x164: {  	v28 =	vld.idx.msk [tilespmem:v23+s25+$0x0], $0xffff;
	v3 =	vadd.f32 v4, v3;
	v4 =	vmul.f32 v5, v20  }
0x165: {  	v29 =	vor.u32 $0x2F, v2;
	v5 =	vld.idx.msk [tilespmem:v21+s26+$0x0], $0xffff  }
0x166: {  	v30 =	vld.idx.msk [tilespmem:v25+s25+$0x0], $0xffff;
	v3 =	vadd.f32 v4, v3;
	v4 =	vmul.f32 v6, v22  }
0x167: {  	v31 =	vor.u32 $0x30, v2;
	v6 =	vld.idx.msk [tilespmem:v23+s26+$0x0], $0xffff  }
0x168: {  	v32 =	vld.idx.msk [tilespmem:v27+s25+$0x0], $0xffff;
	v3 =	vadd.f32 v4, v3;
	v4 =	vmul.f32 v7, v24  }
0x169: {  	v33 =	vor.u32 $0x31, v2;
	v7 =	vld.idx.msk [tilespmem:v25+s26+$0x0], $0xffff  }
0x16a: {  	v34 =	vld.idx.msk [tilespmem:v29+s25+$0x0], $0xffff;
	v3 =	vadd.f32 v4, v3;
	v4 =	vmul.f32 v5, v26  }
0x16b: {  	v35 =	vor.u32 $0x32, v2;
	v5 =	vld.idx.msk [tilespmem:v27+s26+$0x0], $0xffff  }
0x16c: {  	v36 =	vld.idx.msk [tilespmem:v31+s25+$0x0], $0xffff;
	v3 =	vadd.f32 v4, v3;
	v4 =	vmul.f32 v6, v28  }
0x16d: {  	v37 =	vor.u32 $0x33, v2;
	v6 =	vld.idx.msk [tilespmem:v29+s26+$0x0], $0xffff  }
0x16e: {  	v38 =	vld.idx.msk [tilespmem:v33+s25+$0x0], $0xffff;
	v3 =	vadd.f32 v4, v3;
	v4 =	vmul.f32 v7, v30  }
0x16f: {  	v39 =	vor.u32 $0x34, v2;
	v7 =	vld.idx.msk [tilespmem:v31+s26+$0x0], $0xffff  }
0x170: {  	v40 =	vld.idx.msk [tilespmem:v35+s25+$0x0], $0xffff;
	v3 =	vadd.f32 v4, v3;
	v4 =	vmul.f32 v5, v32  }
0x171: {  	v41 =	vor.u32 $0x35, v2;
	v5 =	vld.idx.msk [tilespmem:v33+s26+$0x0], $0xffff  }
0x172: {  	v42 =	vld.idx.msk [tilespmem:v37+s25+$0x0], $0xffff;
	v3 =	vadd.f32 v4, v3;
	v4 =	vmul.f32 v6, v34  }
0x173: {  	v43 =	vor.u32 $0x36, v2;
	v6 =	vld.idx.msk [tilespmem:v35+s26+$0x0], $0xffff  }
0x174: {  	v44 =	vld.idx.msk [tilespmem:v39+s25+$0x0], $0xffff;
	v3 =	vadd.f32 v4, v3;
	v4 =	vmul.f32 v7, v36  }
0x175: {  	v45 =	vor.u32 $0x37, v2;
	v7 =	vld.idx.msk [tilespmem:v37+s26+$0x0], $0xffff  }
0x176: {  	v46 =	vld.idx.msk [tilespmem:v41+s25+$0x0], $0xffff;
	v3 =	vadd.f32 v4, v3;
	v4 =	vmul.f32 v5, v38  }
0x177: {  	v47 =	vor.u32 $0x38, v2;
	v5 =	vld.idx.msk [tilespmem:v39+s26+$0x0], $0xffff  }
0x178: {  	v48 =	vld.idx.msk [tilespmem:v43+s25+$0x0], $0xffff;
	v3 =	vadd.f32 v4, v3;
	v4 =	vmul.f32 v6, v40  }
0x179: {  	v49 =	vor.u32 $0x39, v2;
	v6 =	vld.idx.msk [tilespmem:v41+s26+$0x0], $0xffff  }
0x17a: {  	v50 =	vld.idx.msk [tilespmem:v45+s25+$0x0], $0xffff;
	v3 =	vadd.f32 v4, v3;
	v4 =	vmul.f32 v7, v42  }
0x17b: {  	v51 =	vor.u32 $0x3A, v2;
	v7 =	vld.idx.msk [tilespmem:v43+s26+$0x0], $0xffff  }
0x17c: {  	v52 =	vld.idx.msk [tilespmem:v47+s25+$0x0], $0xffff;
	v3 =	vadd.f32 v4, v3;
	v4 =	vmul.f32 v5, v44  }
0x17d: {  	v53 =	vor.u32 $0x3B, v2;
	v5 =	vld.idx.msk [tilespmem:v45+s26+$0x0], $0xffff  }
0x17e: {  	v54 =	vld.idx.msk [tilespmem:v49+s25+$0x0], $0xffff;
	v3 =	vadd.f32 v4, v3;
	v4 =	vmul.f32 v6, v46  }
0x17f: {  	v55 =	vor.u32 $0x3C, v2;
	v6 =	vld.idx.msk [tilespmem:v47+s26+$0x0], $0xffff  }
0x180: {  	v56 =	vld.idx.msk [tilespmem:v51+s25+$0x0], $0xffff;
	v3 =	vadd.f32 v4, v3;
	v4 =	vmul.f32 v7, v48  }
0x181: {  	v57 =	vor.u32 $0x3D, v2;
	v7 =	vld.idx.msk [tilespmem:v49+s26+$0x0], $0xffff  }
0x182: {  	v58 =	vld.idx.msk [tilespmem:v53+s25+$0x0], $0xffff;
	v3 =	vadd.f32 v4, v3;
	v4 =	vmul.f32 v5, v50  }
0x183: {  	v59 =	vor.u32 $0x3E, v2;
	v5 =	vld.idx.msk [tilespmem:v51+s26+$0x0], $0xffff  }
0x184: {  	v60 =	vld.idx.msk [tilespmem:v55+s25+$0x0], $0xffff;
	v3 =	vadd.f32 v4, v3;
	v4 =	vmul.f32 v6, v52  }
0x185: {  	v2 =	vor.u32 $0x3F, v2;
	v6 =	vld.idx.msk [tilespmem:v53+s26+$0x0], $0xffff  }
0x186: {  	v61 =	vld.idx.msk [tilespmem:v57+s25+$0x0], $0xffff;
	v3 =	vadd.f32 v4, v3;
	v4 =	vmul.f32 v7, v54  }
0x187: {  	v7 =	vld.idx.msk [tilespmem:v55+s26+$0x0], $0xffff  }
0x188: {  	v62 =	vld.idx.msk [tilespmem:v59+s25+$0x0], $0xffff;
	v3 =	vadd.f32 v4, v3;
	v4 =	vmul.f32 v5, v56  }
0x189: {  	v5 =	vld.idx.msk [tilespmem:v57+s26+$0x0], $0xffff  }
0x18a: {  	v63 =	vld.idx.msk [tilespmem:v2+s25+$0x0], $0xffff;
	v3 =	vadd.f32 v4, v3;
	v4 =	vmul.f32 v6, v58  }
0x18b: {  	v6 =	vld.idx.msk [tilespmem:v59+s26+$0x0], $0xffff  }
0x18c: {  	v2 =	vld.idx.msk [tilespmem:v2+s26+$0x0], $0xffff;
	v3 =	vadd.f32 v4, v3;
	v4 =	vmul.f32 v7, v60;
	_ =	sdelay $0x1  }
0x18d: {  	v3 =	vadd.f32 v4, v3;
	v4 =	vmul.f32 v5, v61;
	_ =	sdelay $0x1  }
0x18e: {  	s7 =	simm.s32 $0x20;
	v3 =	vadd.f32 v4, v3;
	v4 =	vmul.f32 v6, v62  }
0x18f: {  	v5 =	vmul.f32 v2, v63;
	v2 =	vor.u32 s7, v0  }
0x190: {  	v4 =	vadd.f32 v4, v3;
	v3 =	vand.u32 v1, v2;
	_ =	sdelay $0x1  }
0x191: {  	s3 =	simm.s32 $0x30;
	s7 =	simm.s32 $0x10800;
	v2 =	vshll.u32 v2, $0x6;
	v4 =	vadd.f32 v5, v4  }
.LBB2_2:
0x192: {  	p0 =	sne.s32 s3, $0x1F0;
	s7 =	sadd.s32 $0x10, s7  }
0x193: {  	v5 =	vor.u32 $0x1, v2;
	[tilespmem:s7+$0x0] =	vst v4  }
0x194: {  	v4 =	vld.idx.msk [tilespmem:v3+s29+$0x0], $0xffff  }
0x195: {  	v6 =	vor.u32 $0x2, v2;
	v3 =	vld.idx.msk [tilespmem:v3+s28+$0x0], $0xffff  }
0x196: {  	v7 =	vld.idx.msk [tilespmem:v2+s25+$0x0], $0xffff  }
0x197: {  	v9 =	vor.u32 $0x3, v2;
	v8 =	vld.idx.msk [tilespmem:v2+s26+$0x0], $0xffff  }
0x198: {  	v10 =	vld.idx.msk [tilespmem:v5+s25+$0x0], $0xffff  }
0x199: {  	v11 =	vor.u32 $0x4, v2;
	v5 =	vld.idx.msk [tilespmem:v5+s26+$0x0], $0xffff  }
0x19a: {  	v12 =	vld.idx.msk [tilespmem:v6+s25+$0x0], $0xffff  }
0x19b: {  	v13 =	vor.u32 $0x5, v2;
	v6 =	vld.idx.msk [tilespmem:v6+s26+$0x0], $0xffff  }
0x19c: {  	v14 =	vld.idx.msk [tilespmem:v9+s25+$0x0], $0xffff  }
0x19d: {  	v3 =	vadd.f32 v4, v3;
	v4 =	vmul.f32 v8, v7;
	v8 =	vor.u32 $0x6, v2;
	v7 =	vld.idx.msk [tilespmem:v9+s26+$0x0], $0xffff  }
0x19e: {  	v9 =	vld.idx.msk [tilespmem:v11+s25+$0x0], $0xffff  }
0x19f: {  	v3 =	vadd.f32 v4, v3;
	v4 =	vmul.f32 v5, v10;
	v10 =	vor.u32 $0x7, v2;
	v5 =	vld.idx.msk [tilespmem:v11+s26+$0x0], $0xffff  }
0x1a0: {  	v11 =	vld.idx.msk [tilespmem:v13+s25+$0x0], $0xffff  }
0x1a1: {  	v3 =	vadd.f32 v4, v3;
	v4 =	vmul.f32 v6, v12;
	v12 =	vor.u32 $0x8, v2;
	v6 =	vld.idx.msk [tilespmem:v13+s26+$0x0], $0xffff  }
0x1a2: {  	v13 =	vld.idx.msk [tilespmem:v8+s25+$0x0], $0xffff  }
0x1a3: {  	v3 =	vadd.f32 v4, v3;
	v4 =	vmul.f32 v7, v14;
	v7 =	vld.idx.msk [tilespmem:v8+s26+$0x0], $0xffff;
	v8 =	vor.u32 $0x9, v2  }
0x1a4: {  	v14 =	vld.idx.msk [tilespmem:v10+s25+$0x0], $0xffff  }
0x1a5: {  	v3 =	vadd.f32 v4, v3;
	v4 =	vmul.f32 v5, v9;
	v9 =	vor.u32 $0xA, v2;
	v5 =	vld.idx.msk [tilespmem:v10+s26+$0x0], $0xffff  }
0x1a6: {  	v10 =	vld.idx.msk [tilespmem:v12+s25+$0x0], $0xffff  }
0x1a7: {  	v3 =	vadd.f32 v4, v3;
	v4 =	vmul.f32 v6, v11;
	v11 =	vor.u32 $0xB, v2;
	v6 =	vld.idx.msk [tilespmem:v12+s26+$0x0], $0xffff  }
0x1a8: {  	v12 =	vld.idx.msk [tilespmem:v8+s25+$0x0], $0xffff  }
0x1a9: {  	v3 =	vadd.f32 v4, v3;
	v4 =	vmul.f32 v7, v13;
	v7 =	vld.idx.msk [tilespmem:v8+s26+$0x0], $0xffff;
	v8 =	vor.u32 $0xC, v2  }
0x1aa: {  	v13 =	vld.idx.msk [tilespmem:v9+s25+$0x0], $0xffff  }
0x1ab: {  	v3 =	vadd.f32 v4, v3;
	v4 =	vmul.f32 v5, v14;
	v5 =	vld.idx.msk [tilespmem:v9+s26+$0x0], $0xffff;
	v9 =	vor.u32 $0xD, v2  }
0x1ac: {  	v14 =	vld.idx.msk [tilespmem:v11+s25+$0x0], $0xffff  }
0x1ad: {  	v3 =	vadd.f32 v4, v3;
	v4 =	vmul.f32 v6, v10;
	v10 =	vor.u32 $0xE, v2;
	v6 =	vld.idx.msk [tilespmem:v11+s26+$0x0], $0xffff  }
0x1ae: {  	v11 =	vld.idx.msk [tilespmem:v8+s25+$0x0], $0xffff  }
0x1af: {  	v3 =	vadd.f32 v4, v3;
	v4 =	vmul.f32 v7, v12;
	v7 =	vld.idx.msk [tilespmem:v8+s26+$0x0], $0xffff;
	v8 =	vor.u32 $0xF, v2  }
0x1b0: {  	v12 =	vld.idx.msk [tilespmem:v9+s25+$0x0], $0xffff  }
0x1b1: {  	v3 =	vadd.f32 v4, v3;
	v4 =	vmul.f32 v5, v13;
	v5 =	vld.idx.msk [tilespmem:v9+s26+$0x0], $0xffff;
	v9 =	vor.u32 $0x10, v2  }
0x1b2: {  	v13 =	vld.idx.msk [tilespmem:v10+s25+$0x0], $0xffff  }
0x1b3: {  	v3 =	vadd.f32 v4, v3;
	v4 =	vmul.f32 v6, v14;
	v6 =	vld.idx.msk [tilespmem:v10+s26+$0x0], $0xffff;
	v10 =	vor.u32 $0x11, v2  }
0x1b4: {  	v14 =	vld.idx.msk [tilespmem:v8+s25+$0x0], $0xffff  }
0x1b5: {  	v3 =	vadd.f32 v4, v3;
	v4 =	vmul.f32 v7, v11;
	v7 =	vld.idx.msk [tilespmem:v8+s26+$0x0], $0xffff;
	v8 =	vor.u32 $0x12, v2  }
0x1b6: {  	v11 =	vld.idx.msk [tilespmem:v9+s25+$0x0], $0xffff  }
0x1b7: {  	v3 =	vadd.f32 v4, v3;
	v4 =	vmul.f32 v5, v12;
	v5 =	vld.idx.msk [tilespmem:v9+s26+$0x0], $0xffff;
	v9 =	vor.u32 $0x13, v2  }
0x1b8: {  	v12 =	vld.idx.msk [tilespmem:v10+s25+$0x0], $0xffff  }
0x1b9: {  	v3 =	vadd.f32 v4, v3;
	v4 =	vmul.f32 v6, v13;
	v6 =	vld.idx.msk [tilespmem:v10+s26+$0x0], $0xffff;
	v10 =	vor.u32 $0x14, v2  }
0x1ba: {  	v13 =	vld.idx.msk [tilespmem:v8+s25+$0x0], $0xffff  }
0x1bb: {  	v3 =	vadd.f32 v4, v3;
	v4 =	vmul.f32 v7, v14;
	v7 =	vld.idx.msk [tilespmem:v8+s26+$0x0], $0xffff;
	v8 =	vor.u32 $0x15, v2  }
0x1bc: {  	v14 =	vld.idx.msk [tilespmem:v9+s25+$0x0], $0xffff  }
0x1bd: {  	v3 =	vadd.f32 v4, v3;
	v4 =	vmul.f32 v5, v11;
	v5 =	vld.idx.msk [tilespmem:v9+s26+$0x0], $0xffff;
	v9 =	vor.u32 $0x16, v2  }
0x1be: {  	v11 =	vld.idx.msk [tilespmem:v10+s25+$0x0], $0xffff  }
0x1bf: {  	v3 =	vadd.f32 v4, v3;
	v4 =	vmul.f32 v6, v12;
	v6 =	vld.idx.msk [tilespmem:v10+s26+$0x0], $0xffff;
	v10 =	vor.u32 $0x17, v2  }
0x1c0: {  	v12 =	vld.idx.msk [tilespmem:v8+s25+$0x0], $0xffff  }
0x1c1: {  	v3 =	vadd.f32 v4, v3;
	v4 =	vmul.f32 v7, v13;
	v7 =	vld.idx.msk [tilespmem:v8+s26+$0x0], $0xffff;
	v8 =	vor.u32 $0x18, v2  }
0x1c2: {  	v13 =	vld.idx.msk [tilespmem:v9+s25+$0x0], $0xffff  }
0x1c3: {  	v3 =	vadd.f32 v4, v3;
	v4 =	vmul.f32 v5, v14;
	v5 =	vld.idx.msk [tilespmem:v9+s26+$0x0], $0xffff;
	v9 =	vor.u32 $0x19, v2  }
0x1c4: {  	v14 =	vld.idx.msk [tilespmem:v10+s25+$0x0], $0xffff  }
0x1c5: {  	v3 =	vadd.f32 v4, v3;
	v4 =	vmul.f32 v6, v11;
	v6 =	vld.idx.msk [tilespmem:v10+s26+$0x0], $0xffff;
	v10 =	vor.u32 $0x1A, v2  }
0x1c6: {  	v11 =	vld.idx.msk [tilespmem:v8+s25+$0x0], $0xffff  }
0x1c7: {  	v3 =	vadd.f32 v4, v3;
	v4 =	vmul.f32 v7, v12;
	v7 =	vld.idx.msk [tilespmem:v8+s26+$0x0], $0xffff;
	v8 =	vor.u32 $0x1B, v2  }
0x1c8: {  	v12 =	vld.idx.msk [tilespmem:v9+s25+$0x0], $0xffff  }
0x1c9: {  	v3 =	vadd.f32 v4, v3;
	v4 =	vmul.f32 v5, v13;
	v5 =	vld.idx.msk [tilespmem:v9+s26+$0x0], $0xffff;
	v9 =	vor.u32 $0x1C, v2  }
0x1ca: {  	v13 =	vld.idx.msk [tilespmem:v10+s25+$0x0], $0xffff  }
0x1cb: {  	v3 =	vadd.f32 v4, v3;
	v4 =	vmul.f32 v6, v14;
	v6 =	vld.idx.msk [tilespmem:v10+s26+$0x0], $0xffff;
	v10 =	vor.u32 $0x1D, v2  }
0x1cc: {  	v14 =	vld.idx.msk [tilespmem:v8+s25+$0x0], $0xffff  }
0x1cd: {  	v3 =	vadd.f32 v4, v3;
	v4 =	vmul.f32 v7, v11;
	v7 =	vld.idx.msk [tilespmem:v8+s26+$0x0], $0xffff;
	v8 =	vor.u32 $0x1E, v2  }
0x1ce: {  	v11 =	vld.idx.msk [tilespmem:v9+s25+$0x0], $0xffff  }
0x1cf: {  	v3 =	vadd.f32 v4, v3;
	v4 =	vmul.f32 v5, v12;
	v5 =	vld.idx.msk [tilespmem:v9+s26+$0x0], $0xffff;
	v9 =	vor.u32 $0x1F, v2  }
0x1d0: {  	v12 =	vld.idx.msk [tilespmem:v10+s25+$0x0], $0xffff  }
0x1d1: {  	v3 =	vadd.f32 v4, v3;
	v4 =	vmul.f32 v6, v13;
	v6 =	vld.idx.msk [tilespmem:v10+s26+$0x0], $0xffff;
	v10 =	vor.u32 $0x20, v2  }
0x1d2: {  	v13 =	vld.idx.msk [tilespmem:v8+s25+$0x0], $0xffff  }
0x1d3: {  	v3 =	vadd.f32 v4, v3;
	v4 =	vmul.f32 v7, v14;
	v7 =	vld.idx.msk [tilespmem:v8+s26+$0x0], $0xffff;
	v8 =	vor.u32 $0x21, v2  }
0x1d4: {  	v14 =	vld.idx.msk [tilespmem:v9+s25+$0x0], $0xffff  }
0x1d5: {  	v3 =	vadd.f32 v4, v3;
	v4 =	vmul.f32 v5, v11;
	v5 =	vld.idx.msk [tilespmem:v9+s26+$0x0], $0xffff;
	v9 =	vor.u32 $0x22, v2  }
0x1d6: {  	v11 =	vld.idx.msk [tilespmem:v10+s25+$0x0], $0xffff  }
0x1d7: {  	v3 =	vadd.f32 v4, v3;
	v4 =	vmul.f32 v6, v12;
	v6 =	vld.idx.msk [tilespmem:v10+s26+$0x0], $0xffff;
	v10 =	vor.u32 $0x23, v2  }
0x1d8: {  	v12 =	vld.idx.msk [tilespmem:v8+s25+$0x0], $0xffff  }
0x1d9: {  	v3 =	vadd.f32 v4, v3;
	v4 =	vmul.f32 v7, v13;
	v7 =	vld.idx.msk [tilespmem:v8+s26+$0x0], $0xffff;
	v8 =	vor.u32 $0x24, v2  }
0x1da: {  	v13 =	vld.idx.msk [tilespmem:v9+s25+$0x0], $0xffff  }
0x1db: {  	v3 =	vadd.f32 v4, v3;
	v4 =	vmul.f32 v5, v14;
	v5 =	vld.idx.msk [tilespmem:v9+s26+$0x0], $0xffff;
	v9 =	vor.u32 $0x25, v2  }
0x1dc: {  	v14 =	vld.idx.msk [tilespmem:v10+s25+$0x0], $0xffff  }
0x1dd: {  	v3 =	vadd.f32 v4, v3;
	v4 =	vmul.f32 v6, v11;
	v6 =	vld.idx.msk [tilespmem:v10+s26+$0x0], $0xffff;
	v10 =	vor.u32 $0x26, v2  }
0x1de: {  	v11 =	vld.idx.msk [tilespmem:v8+s25+$0x0], $0xffff  }
0x1df: {  	v3 =	vadd.f32 v4, v3;
	v4 =	vmul.f32 v7, v12;
	v7 =	vld.idx.msk [tilespmem:v8+s26+$0x0], $0xffff;
	v8 =	vor.u32 $0x27, v2  }
0x1e0: {  	v12 =	vld.idx.msk [tilespmem:v9+s25+$0x0], $0xffff  }
0x1e1: {  	v3 =	vadd.f32 v4, v3;
	v4 =	vmul.f32 v5, v13;
	v5 =	vld.idx.msk [tilespmem:v9+s26+$0x0], $0xffff;
	v9 =	vor.u32 $0x28, v2  }
0x1e2: {  	v13 =	vld.idx.msk [tilespmem:v10+s25+$0x0], $0xffff  }
0x1e3: {  	v3 =	vadd.f32 v4, v3;
	v4 =	vmul.f32 v6, v14;
	v6 =	vld.idx.msk [tilespmem:v10+s26+$0x0], $0xffff;
	v10 =	vor.u32 $0x29, v2  }
0x1e4: {  	v14 =	vld.idx.msk [tilespmem:v8+s25+$0x0], $0xffff  }
0x1e5: {  	v3 =	vadd.f32 v4, v3;
	v4 =	vmul.f32 v7, v11;
	v7 =	vld.idx.msk [tilespmem:v8+s26+$0x0], $0xffff;
	v8 =	vor.u32 $0x2A, v2  }
0x1e6: {  	v11 =	vld.idx.msk [tilespmem:v9+s25+$0x0], $0xffff  }
0x1e7: {  	v3 =	vadd.f32 v4, v3;
	v4 =	vmul.f32 v5, v12;
	v5 =	vld.idx.msk [tilespmem:v9+s26+$0x0], $0xffff;
	v9 =	vor.u32 $0x2B, v2  }
0x1e8: {  	v12 =	vld.idx.msk [tilespmem:v10+s25+$0x0], $0xffff  }
0x1e9: {  	v3 =	vadd.f32 v4, v3;
	v4 =	vmul.f32 v6, v13;
	v6 =	vld.idx.msk [tilespmem:v10+s26+$0x0], $0xffff;
	v10 =	vor.u32 $0x2C, v2  }
0x1ea: {  	v13 =	vld.idx.msk [tilespmem:v8+s25+$0x0], $0xffff  }
0x1eb: {  	v3 =	vadd.f32 v4, v3;
	v4 =	vmul.f32 v7, v14;
	v7 =	vld.idx.msk [tilespmem:v8+s26+$0x0], $0xffff;
	v8 =	vor.u32 $0x2D, v2  }
0x1ec: {  	v14 =	vld.idx.msk [tilespmem:v9+s25+$0x0], $0xffff  }
0x1ed: {  	v3 =	vadd.f32 v4, v3;
	v4 =	vmul.f32 v5, v11;
	v5 =	vld.idx.msk [tilespmem:v9+s26+$0x0], $0xffff;
	v9 =	vor.u32 $0x2E, v2  }
0x1ee: {  	v11 =	vld.idx.msk [tilespmem:v10+s25+$0x0], $0xffff  }
0x1ef: {  	v3 =	vadd.f32 v4, v3;
	v4 =	vmul.f32 v6, v12;
	v6 =	vld.idx.msk [tilespmem:v10+s26+$0x0], $0xffff;
	v10 =	vor.u32 $0x2F, v2  }
0x1f0: {  	v12 =	vld.idx.msk [tilespmem:v8+s25+$0x0], $0xffff  }
0x1f1: {  	v3 =	vadd.f32 v4, v3;
	v4 =	vmul.f32 v7, v13;
	v7 =	vld.idx.msk [tilespmem:v8+s26+$0x0], $0xffff;
	v8 =	vor.u32 $0x30, v2  }
0x1f2: {  	v13 =	vld.idx.msk [tilespmem:v9+s25+$0x0], $0xffff  }
0x1f3: {  	v3 =	vadd.f32 v4, v3;
	v4 =	vmul.f32 v5, v14;
	v5 =	vld.idx.msk [tilespmem:v9+s26+$0x0], $0xffff;
	v9 =	vor.u32 $0x31, v2  }
0x1f4: {  	v14 =	vld.idx.msk [tilespmem:v10+s25+$0x0], $0xffff  }
0x1f5: {  	v3 =	vadd.f32 v4, v3;
	v4 =	vmul.f32 v6, v11;
	v6 =	vld.idx.msk [tilespmem:v10+s26+$0x0], $0xffff;
	v10 =	vor.u32 $0x32, v2  }
0x1f6: {  	v11 =	vld.idx.msk [tilespmem:v8+s25+$0x0], $0xffff  }
0x1f7: {  	v3 =	vadd.f32 v4, v3;
	v4 =	vmul.f32 v7, v12;
	v7 =	vld.idx.msk [tilespmem:v8+s26+$0x0], $0xffff;
	v8 =	vor.u32 $0x33, v2  }
0x1f8: {  	v12 =	vld.idx.msk [tilespmem:v9+s25+$0x0], $0xffff  }
0x1f9: {  	v3 =	vadd.f32 v4, v3;
	v4 =	vmul.f32 v5, v13;
	v5 =	vld.idx.msk [tilespmem:v9+s26+$0x0], $0xffff;
	v9 =	vor.u32 $0x34, v2  }
0x1fa: {  	v13 =	vld.idx.msk [tilespmem:v10+s25+$0x0], $0xffff  }
0x1fb: {  	v3 =	vadd.f32 v4, v3;
	v4 =	vmul.f32 v6, v14;
	v6 =	vld.idx.msk [tilespmem:v10+s26+$0x0], $0xffff;
	v10 =	vor.u32 $0x35, v2  }
0x1fc: {  	v14 =	vld.idx.msk [tilespmem:v8+s25+$0x0], $0xffff  }
0x1fd: {  	v3 =	vadd.f32 v4, v3;
	v4 =	vmul.f32 v7, v11;
	v7 =	vld.idx.msk [tilespmem:v8+s26+$0x0], $0xffff;
	v8 =	vor.u32 $0x36, v2  }
0x1fe: {  	v11 =	vld.idx.msk [tilespmem:v9+s25+$0x0], $0xffff  }
0x1ff: {  	v3 =	vadd.f32 v4, v3;
	v4 =	vmul.f32 v5, v12;
	v5 =	vld.idx.msk [tilespmem:v9+s26+$0x0], $0xffff;
	v9 =	vor.u32 $0x37, v2  }
0x200: {  	v12 =	vld.idx.msk [tilespmem:v10+s25+$0x0], $0xffff  }
0x201: {  	v3 =	vadd.f32 v4, v3;
	v4 =	vmul.f32 v6, v13;
	v6 =	vld.idx.msk [tilespmem:v10+s26+$0x0], $0xffff;
	v10 =	vor.u32 $0x38, v2  }
0x202: {  	v13 =	vld.idx.msk [tilespmem:v8+s25+$0x0], $0xffff  }
0x203: {  	v3 =	vadd.f32 v4, v3;
	v4 =	vmul.f32 v7, v14;
	v7 =	vld.idx.msk [tilespmem:v8+s26+$0x0], $0xffff;
	v8 =	vor.u32 $0x39, v2  }
0x204: {  	v14 =	vld.idx.msk [tilespmem:v9+s25+$0x0], $0xffff  }
0x205: {  	v3 =	vadd.f32 v4, v3;
	v4 =	vmul.f32 v5, v11;
	v5 =	vld.idx.msk [tilespmem:v9+s26+$0x0], $0xffff;
	v9 =	vor.u32 $0x3A, v2  }
0x206: {  	v11 =	vld.idx.msk [tilespmem:v10+s25+$0x0], $0xffff  }
0x207: {  	v3 =	vadd.f32 v4, v3;
	v4 =	vmul.f32 v6, v12;
	v6 =	vld.idx.msk [tilespmem:v10+s26+$0x0], $0xffff;
	v10 =	vor.u32 $0x3B, v2  }
0x208: {  	v12 =	vld.idx.msk [tilespmem:v8+s25+$0x0], $0xffff  }
0x209: {  	v3 =	vadd.f32 v4, v3;
	v4 =	vmul.f32 v7, v13;
	v7 =	vld.idx.msk [tilespmem:v8+s26+$0x0], $0xffff;
	v8 =	vor.u32 $0x3C, v2  }
0x20a: {  	v13 =	vld.idx.msk [tilespmem:v9+s25+$0x0], $0xffff  }
0x20b: {  	v3 =	vadd.f32 v4, v3;
	v4 =	vmul.f32 v5, v14;
	v5 =	vld.idx.msk [tilespmem:v9+s26+$0x0], $0xffff;
	v9 =	vor.u32 $0x3D, v2  }
0x20c: {  	v14 =	vld.idx.msk [tilespmem:v10+s25+$0x0], $0xffff  }
0x20d: {  	v3 =	vadd.f32 v4, v3;
	v4 =	vmul.f32 v6, v11;
	v6 =	vld.idx.msk [tilespmem:v10+s26+$0x0], $0xffff;
	v10 =	vor.u32 $0x3E, v2  }
0x20e: {  	v11 =	vld.idx.msk [tilespmem:v8+s25+$0x0], $0xffff  }
0x20f: {  	v2 =	vor.u32 $0x3F, v2;
	v3 =	vadd.f32 v4, v3;
	v4 =	vmul.f32 v7, v12;
	v7 =	vld.idx.msk [tilespmem:v8+s26+$0x0], $0xffff  }
0x210: {  	v8 =	vld.idx.msk [tilespmem:v9+s25+$0x0], $0xffff  }
0x211: {  	v3 =	vadd.f32 v4, v3;
	v4 =	vmul.f32 v5, v13;
	v5 =	vld.idx.msk [tilespmem:v9+s26+$0x0], $0xffff  }
0x212: {  	v9 =	vld.idx.msk [tilespmem:v10+s25+$0x0], $0xffff  }
0x213: {  	v3 =	vadd.f32 v4, v3;
	v4 =	vmul.f32 v6, v14;
	v6 =	vld.idx.msk [tilespmem:v10+s26+$0x0], $0xffff  }
0x214: {  	v10 =	vld.idx.msk [tilespmem:v2+s25+$0x0], $0xffff  }
0x215: {  	v3 =	vadd.f32 v4, v3;
	v4 =	vmul.f32 v7, v11;
	v2 =	vld.idx.msk [tilespmem:v2+s26+$0x0], $0xffff;
	_ =	sdelay $0x1  }
0x216: {  	v3 =	vadd.f32 v4, v3;
	v4 =	vmul.f32 v5, v8;
	_ =	sdelay $0x1  }
.Ltmp0:
0x217: {  	v4 =	vadd.f32 v4, v3;
	v5 =	vmul.f32 v6, v9;
	(pc) =	sbr.rel @p0 .LBB2_2-.Ltmp0, $3  }
0x218: {  	v6 =	vor.u32 s3, v0  }
0x219: {  	v3 =	vand.u32 v1, v6;
	v4 =	vadd.f32 v5, v4;
	v5 =	vmul.f32 v2, v10;
	_ =	sdelay $0x1  }
0x21a: {  	s3 =	sadd.s32 $0x10, s3;
	v2 =	vshll.u32 v6, $0x6;
	v4 =	vadd.f32 v5, v4  }
0x21b: {  	_ =	sdelay $0x1  }
0x21c: {  	s3 =	sadd.s32 $0x10, s7  }
0x21d: {  	v5 =	vor.u32 $0x1, v2;
	[tilespmem:s3+$0x0] =	vst v4  }
0x21e: {  	v4 =	vld.idx.msk [tilespmem:v3+s29+$0x0], $0xffff  }
0x21f: {  	v6 =	vor.u32 $0x2, v2;
	v3 =	vld.idx.msk [tilespmem:v3+s28+$0x0], $0xffff  }
0x220: {  	v7 =	vld.idx.msk [tilespmem:v2+s25+$0x0], $0xffff  }
0x221: {  	v9 =	vor.u32 $0x3, v2;
	v8 =	vld.idx.msk [tilespmem:v2+s26+$0x0], $0xffff  }
0x222: {  	v10 =	vld.idx.msk [tilespmem:v5+s25+$0x0], $0xffff  }
0x223: {  	v11 =	vor.u32 $0x4, v2;
	v5 =	vld.idx.msk [tilespmem:v5+s26+$0x0], $0xffff  }
0x224: {  	v12 =	vld.idx.msk [tilespmem:v6+s25+$0x0], $0xffff  }
0x225: {  	v13 =	vor.u32 $0x5, v2;
	v6 =	vld.idx.msk [tilespmem:v6+s26+$0x0], $0xffff  }
0x226: {  	v14 =	vld.idx.msk [tilespmem:v9+s25+$0x0], $0xffff;
	v3 =	vadd.f32 v4, v3;
	v16 =	vmul.f32 v8, v7  }
0x227: {  	v18 =	vor.u32 $0x6, v2;
	v17 =	vld.idx.msk [tilespmem:v9+s26+$0x0], $0xffff  }
0x228: {  	v19 =	vld.idx.msk [tilespmem:v11+s25+$0x0], $0xffff;
	v3 =	vadd.f32 v16, v3;
	v20 =	vmul.f32 v5, v10  }
0x229: {  	v22 =	vor.u32 $0x7, v2;
	v21 =	vld.idx.msk [tilespmem:v11+s26+$0x0], $0xffff  }
0x22a: {  	v23 =	vld.idx.msk [tilespmem:v13+s25+$0x0], $0xffff;
	v24 =	vmul.f32 v6, v12;
	v3 =	vadd.f32 v20, v3  }
0x22b: {  	v26 =	vor.u32 $0x8, v2;
	v25 =	vld.idx.msk [tilespmem:v13+s26+$0x0], $0xffff  }
0x22c: {  	v27 =	vld.idx.msk [tilespmem:v18+s25+$0x0], $0xffff;
	v28 =	vmul.f32 v17, v14;
	v3 =	vadd.f32 v24, v3  }
0x22d: {  	v30 =	vor.u32 $0x9, v2;
	v29 =	vld.idx.msk [tilespmem:v18+s26+$0x0], $0xffff  }
0x22e: {  	v31 =	vld.idx.msk [tilespmem:v22+s25+$0x0], $0xffff;
	v32 =	vmul.f32 v21, v19;
	v3 =	vadd.f32 v28, v3  }
0x22f: {  	v34 =	vor.u32 $0xA, v2;
	v33 =	vld.idx.msk [tilespmem:v22+s26+$0x0], $0xffff  }
0x230: {  	v35 =	vld.idx.msk [tilespmem:v26+s25+$0x0], $0xffff;
	v36 =	vmul.f32 v25, v23;
	v3 =	vadd.f32 v32, v3  }
0x231: {  	v38 =	vor.u32 $0xB, v2;
	v37 =	vld.idx.msk [tilespmem:v26+s26+$0x0], $0xffff  }
0x232: {  	v39 =	vld.idx.msk [tilespmem:v30+s25+$0x0], $0xffff;
	v40 =	vmul.f32 v29, v27;
	v3 =	vadd.f32 v36, v3  }
0x233: {  	v42 =	vor.u32 $0xC, v2;
	v41 =	vld.idx.msk [tilespmem:v30+s26+$0x0], $0xffff  }
0x234: {  	v43 =	vld.idx.msk [tilespmem:v34+s25+$0x0], $0xffff;
	v44 =	vmul.f32 v33, v31;
	v3 =	vadd.f32 v40, v3  }
0x235: {  	v46 =	vor.u32 $0xD, v2;
	v45 =	vld.idx.msk [tilespmem:v34+s26+$0x0], $0xffff  }
0x236: {  	v47 =	vld.idx.msk [tilespmem:v38+s25+$0x0], $0xffff;
	v48 =	vmul.f32 v37, v35;
	v3 =	vadd.f32 v44, v3  }
0x237: {  	v50 =	vor.u32 $0xE, v2;
	v49 =	vld.idx.msk [tilespmem:v38+s26+$0x0], $0xffff  }
0x238: {  	v51 =	vld.idx.msk [tilespmem:v42+s25+$0x0], $0xffff;
	v52 =	vmul.f32 v41, v39;
	v3 =	vadd.f32 v48, v3  }
0x239: {  	v54 =	vor.u32 $0xF, v2;
	v53 =	vld.idx.msk [tilespmem:v42+s26+$0x0], $0xffff  }
0x23a: {  	v55 =	vld.idx.msk [tilespmem:v46+s25+$0x0], $0xffff;
	v56 =	vmul.f32 v45, v43;
	v3 =	vadd.f32 v52, v3  }
0x23b: {  	v58 =	vor.u32 $0x10, v2;
	v57 =	vld.idx.msk [tilespmem:v46+s26+$0x0], $0xffff  }
0x23c: {  	v59 =	vld.idx.msk [tilespmem:v50+s25+$0x0], $0xffff;
	v60 =	vmul.f32 v49, v47;
	v3 =	vadd.f32 v56, v3  }
0x23d: {  	v62 =	vor.u32 $0x11, v2;
	v61 =	vld.idx.msk [tilespmem:v50+s26+$0x0], $0xffff  }
0x23e: {  	v63 =	vld.idx.msk [tilespmem:v54+s25+$0x0], $0xffff;
	v16 =	vmul.f32 v53, v51;
	v3 =	vadd.f32 v60, v3  }
0x23f: {  	v18 =	vor.u32 $0x12, v2;
	v17 =	vld.idx.msk [tilespmem:v54+s26+$0x0], $0xffff  }
0x240: {  	v19 =	vld.idx.msk [tilespmem:v58+s25+$0x0], $0xffff;
	v20 =	vmul.f32 v57, v55;
	v3 =	vadd.f32 v16, v3  }
0x241: {  	v22 =	vor.u32 $0x13, v2;
	v21 =	vld.idx.msk [tilespmem:v58+s26+$0x0], $0xffff  }
0x242: {  	v23 =	vld.idx.msk [tilespmem:v62+s25+$0x0], $0xffff;
	v24 =	vmul.f32 v61, v59;
	v3 =	vadd.f32 v20, v3  }
0x243: {  	v26 =	vor.u32 $0x14, v2;
	v25 =	vld.idx.msk [tilespmem:v62+s26+$0x0], $0xffff  }
0x244: {  	v27 =	vld.idx.msk [tilespmem:v18+s25+$0x0], $0xffff;
	v28 =	vmul.f32 v17, v63;
	v3 =	vadd.f32 v24, v3  }
0x245: {  	v30 =	vor.u32 $0x15, v2;
	v29 =	vld.idx.msk [tilespmem:v18+s26+$0x0], $0xffff  }
0x246: {  	v31 =	vld.idx.msk [tilespmem:v22+s25+$0x0], $0xffff;
	v32 =	vmul.f32 v21, v19;
	v3 =	vadd.f32 v28, v3  }
0x247: {  	v34 =	vor.u32 $0x16, v2;
	v33 =	vld.idx.msk [tilespmem:v22+s26+$0x0], $0xffff  }
0x248: {  	v35 =	vld.idx.msk [tilespmem:v26+s25+$0x0], $0xffff;
	v36 =	vmul.f32 v25, v23;
	v3 =	vadd.f32 v32, v3  }
0x249: {  	v38 =	vor.u32 $0x17, v2;
	v37 =	vld.idx.msk [tilespmem:v26+s26+$0x0], $0xffff  }
0x24a: {  	v39 =	vld.idx.msk [tilespmem:v30+s25+$0x0], $0xffff;
	v40 =	vmul.f32 v29, v27;
	v3 =	vadd.f32 v36, v3  }
0x24b: {  	v42 =	vor.u32 $0x18, v2;
	v41 =	vld.idx.msk [tilespmem:v30+s26+$0x0], $0xffff  }
0x24c: {  	v43 =	vld.idx.msk [tilespmem:v34+s25+$0x0], $0xffff;
	v44 =	vmul.f32 v33, v31;
	v3 =	vadd.f32 v40, v3  }
0x24d: {  	v46 =	vor.u32 $0x19, v2;
	v45 =	vld.idx.msk [tilespmem:v34+s26+$0x0], $0xffff  }
0x24e: {  	v47 =	vld.idx.msk [tilespmem:v38+s25+$0x0], $0xffff;
	v48 =	vmul.f32 v37, v35;
	v3 =	vadd.f32 v44, v3  }
0x24f: {  	v50 =	vor.u32 $0x1A, v2;
	v49 =	vld.idx.msk [tilespmem:v38+s26+$0x0], $0xffff  }
0x250: {  	v51 =	vld.idx.msk [tilespmem:v42+s25+$0x0], $0xffff;
	v52 =	vmul.f32 v41, v39;
	v3 =	vadd.f32 v48, v3  }
0x251: {  	v53 =	vld.idx.msk [tilespmem:v42+s26+$0x0], $0xffff;
	v54 =	vor.u32 $0x1B, v2  }
0x252: {  	v55 =	vld.idx.msk [tilespmem:v46+s25+$0x0], $0xffff;
	v56 =	vmul.f32 v45, v43;
	v3 =	vadd.f32 v52, v3  }
0x253: {  	v58 =	vor.u32 $0x1C, v2;
	v57 =	vld.idx.msk [tilespmem:v46+s26+$0x0], $0xffff  }
0x254: {  	v59 =	vld.idx.msk [tilespmem:v50+s25+$0x0], $0xffff;
	v60 =	vmul.f32 v49, v47;
	v3 =	vadd.f32 v56, v3  }
0x255: {  	v62 =	vor.u32 $0x1D, v2;
	v61 =	vld.idx.msk [tilespmem:v50+s26+$0x0], $0xffff  }
0x256: {  	v63 =	vld.idx.msk [tilespmem:v54+s25+$0x0], $0xffff;
	v16 =	vmul.f32 v53, v51;
	v3 =	vadd.f32 v60, v3  }
0x257: {  	v18 =	vor.u32 $0x1E, v2;
	v17 =	vld.idx.msk [tilespmem:v54+s26+$0x0], $0xffff  }
0x258: {  	v19 =	vld.idx.msk [tilespmem:v58+s25+$0x0], $0xffff;
	v20 =	vmul.f32 v57, v55;
	v3 =	vadd.f32 v16, v3  }
0x259: {  	v22 =	vor.u32 $0x1F, v2;
	v21 =	vld.idx.msk [tilespmem:v58+s26+$0x0], $0xffff  }
0x25a: {  	v23 =	vld.idx.msk [tilespmem:v62+s25+$0x0], $0xffff;
	v24 =	vmul.f32 v61, v59;
	v3 =	vadd.f32 v20, v3  }
0x25b: {  	v26 =	vor.u32 $0x20, v2;
	v25 =	vld.idx.msk [tilespmem:v62+s26+$0x0], $0xffff  }
0x25c: {  	v27 =	vld.idx.msk [tilespmem:v18+s25+$0x0], $0xffff;
	v28 =	vmul.f32 v17, v63;
	v3 =	vadd.f32 v24, v3  }
0x25d: {  	v30 =	vor.u32 $0x21, v2;
	v29 =	vld.idx.msk [tilespmem:v18+s26+$0x0], $0xffff  }
0x25e: {  	v31 =	vld.idx.msk [tilespmem:v22+s25+$0x0], $0xffff;
	v32 =	vmul.f32 v21, v19;
	v3 =	vadd.f32 v28, v3  }
0x25f: {  	v34 =	vor.u32 $0x22, v2;
	v33 =	vld.idx.msk [tilespmem:v22+s26+$0x0], $0xffff  }
0x260: {  	v35 =	vld.idx.msk [tilespmem:v26+s25+$0x0], $0xffff;
	v36 =	vmul.f32 v25, v23;
	v3 =	vadd.f32 v32, v3  }
0x261: {  	v38 =	vor.u32 $0x23, v2;
	v37 =	vld.idx.msk [tilespmem:v26+s26+$0x0], $0xffff  }
0x262: {  	v39 =	vld.idx.msk [tilespmem:v30+s25+$0x0], $0xffff;
	v40 =	vmul.f32 v29, v27;
	v3 =	vadd.f32 v36, v3  }
0x263: {  	v42 =	vor.u32 $0x24, v2;
	v41 =	vld.idx.msk [tilespmem:v30+s26+$0x0], $0xffff  }
0x264: {  	v43 =	vld.idx.msk [tilespmem:v34+s25+$0x0], $0xffff;
	v44 =	vmul.f32 v33, v31;
	v3 =	vadd.f32 v40, v3  }
0x265: {  	v46 =	vor.u32 $0x25, v2;
	v45 =	vld.idx.msk [tilespmem:v34+s26+$0x0], $0xffff  }
0x266: {  	v47 =	vld.idx.msk [tilespmem:v38+s25+$0x0], $0xffff;
	v48 =	vmul.f32 v37, v35;
	v3 =	vadd.f32 v44, v3  }
0x267: {  	v50 =	vor.u32 $0x26, v2;
	v49 =	vld.idx.msk [tilespmem:v38+s26+$0x0], $0xffff  }
0x268: {  	v51 =	vld.idx.msk [tilespmem:v42+s25+$0x0], $0xffff;
	v52 =	vmul.f32 v41, v39;
	v3 =	vadd.f32 v48, v3  }
0x269: {  	v54 =	vor.u32 $0x27, v2;
	v53 =	vld.idx.msk [tilespmem:v42+s26+$0x0], $0xffff  }
0x26a: {  	v55 =	vld.idx.msk [tilespmem:v46+s25+$0x0], $0xffff;
	v56 =	vmul.f32 v45, v43;
	v3 =	vadd.f32 v52, v3  }
0x26b: {  	v58 =	vor.u32 $0x28, v2;
	v57 =	vld.idx.msk [tilespmem:v46+s26+$0x0], $0xffff  }
0x26c: {  	v59 =	vld.idx.msk [tilespmem:v50+s25+$0x0], $0xffff;
	v60 =	vmul.f32 v49, v47;
	v3 =	vadd.f32 v56, v3  }
0x26d: {  	v62 =	vor.u32 $0x29, v2;
	v61 =	vld.idx.msk [tilespmem:v50+s26+$0x0], $0xffff  }
0x26e: {  	v63 =	vld.idx.msk [tilespmem:v54+s25+$0x0], $0xffff;
	v16 =	vmul.f32 v53, v51;
	v3 =	vadd.f32 v60, v3  }
0x26f: {  	v18 =	vor.u32 $0x2A, v2;
	v17 =	vld.idx.msk [tilespmem:v54+s26+$0x0], $0xffff  }
0x270: {  	v19 =	vld.idx.msk [tilespmem:v58+s25+$0x0], $0xffff;
	v20 =	vmul.f32 v57, v55;
	v3 =	vadd.f32 v16, v3  }
0x271: {  	v22 =	vor.u32 $0x2B, v2;
	v21 =	vld.idx.msk [tilespmem:v58+s26+$0x0], $0xffff  }
0x272: {  	v23 =	vld.idx.msk [tilespmem:v62+s25+$0x0], $0xffff;
	v24 =	vmul.f32 v61, v59;
	v3 =	vadd.f32 v20, v3  }
0x273: {  	v26 =	vor.u32 $0x2C, v2;
	v25 =	vld.idx.msk [tilespmem:v62+s26+$0x0], $0xffff  }
0x274: {  	v27 =	vld.idx.msk [tilespmem:v18+s25+$0x0], $0xffff;
	v28 =	vmul.f32 v17, v63;
	v3 =	vadd.f32 v24, v3  }
0x275: {  	v30 =	vor.u32 $0x2D, v2;
	v29 =	vld.idx.msk [tilespmem:v18+s26+$0x0], $0xffff  }
0x276: {  	v31 =	vld.idx.msk [tilespmem:v22+s25+$0x0], $0xffff;
	v32 =	vmul.f32 v21, v19;
	v3 =	vadd.f32 v28, v3  }
0x277: {  	v34 =	vor.u32 $0x2E, v2;
	v33 =	vld.idx.msk [tilespmem:v22+s26+$0x0], $0xffff  }
0x278: {  	v35 =	vld.idx.msk [tilespmem:v26+s25+$0x0], $0xffff;
	v36 =	vmul.f32 v25, v23;
	v3 =	vadd.f32 v32, v3  }
0x279: {  	v38 =	vor.u32 $0x2F, v2;
	v37 =	vld.idx.msk [tilespmem:v26+s26+$0x0], $0xffff  }
0x27a: {  	v39 =	vld.idx.msk [tilespmem:v30+s25+$0x0], $0xffff;
	v40 =	vmul.f32 v29, v27;
	v3 =	vadd.f32 v36, v3  }
0x27b: {  	v42 =	vor.u32 $0x30, v2;
	v41 =	vld.idx.msk [tilespmem:v30+s26+$0x0], $0xffff  }
0x27c: {  	v43 =	vld.idx.msk [tilespmem:v34+s25+$0x0], $0xffff;
	v44 =	vmul.f32 v33, v31;
	v3 =	vadd.f32 v40, v3  }
0x27d: {  	v46 =	vor.u32 $0x31, v2;
	v45 =	vld.idx.msk [tilespmem:v34+s26+$0x0], $0xffff  }
0x27e: {  	v47 =	vld.idx.msk [tilespmem:v38+s25+$0x0], $0xffff;
	v48 =	vmul.f32 v37, v35;
	v3 =	vadd.f32 v44, v3  }
0x27f: {  	v50 =	vor.u32 $0x32, v2;
	v49 =	vld.idx.msk [tilespmem:v38+s26+$0x0], $0xffff  }
0x280: {  	v51 =	vld.idx.msk [tilespmem:v42+s25+$0x0], $0xffff;
	v52 =	vmul.f32 v41, v39;
	v3 =	vadd.f32 v48, v3  }
0x281: {  	v54 =	vor.u32 $0x33, v2;
	v53 =	vld.idx.msk [tilespmem:v42+s26+$0x0], $0xffff  }
0x282: {  	v55 =	vld.idx.msk [tilespmem:v46+s25+$0x0], $0xffff;
	v56 =	vmul.f32 v45, v43;
	v3 =	vadd.f32 v52, v3  }
0x283: {  	v58 =	vor.u32 $0x34, v2;
	v57 =	vld.idx.msk [tilespmem:v46+s26+$0x0], $0xffff  }
0x284: {  	v59 =	vld.idx.msk [tilespmem:v50+s25+$0x0], $0xffff;
	v60 =	vmul.f32 v49, v47;
	v3 =	vadd.f32 v56, v3  }
0x285: {  	v62 =	vor.u32 $0x35, v2;
	v61 =	vld.idx.msk [tilespmem:v50+s26+$0x0], $0xffff  }
0x286: {  	v63 =	vld.idx.msk [tilespmem:v54+s25+$0x0], $0xffff;
	v16 =	vmul.f32 v53, v51;
	v3 =	vadd.f32 v60, v3  }
0x287: {  	v18 =	vor.u32 $0x36, v2;
	v17 =	vld.idx.msk [tilespmem:v54+s26+$0x0], $0xffff  }
0x288: {  	v19 =	vld.idx.msk [tilespmem:v58+s25+$0x0], $0xffff;
	v20 =	vmul.f32 v57, v55;
	v3 =	vadd.f32 v16, v3  }
0x289: {  	v22 =	vor.u32 $0x37, v2;
	v21 =	vld.idx.msk [tilespmem:v58+s26+$0x0], $0xffff  }
0x28a: {  	v23 =	vld.idx.msk [tilespmem:v62+s25+$0x0], $0xffff;
	v24 =	vmul.f32 v61, v59;
	v3 =	vadd.f32 v20, v3  }
0x28b: {  	v26 =	vor.u32 $0x38, v2;
	v25 =	vld.idx.msk [tilespmem:v62+s26+$0x0], $0xffff  }
0x28c: {  	v27 =	vld.idx.msk [tilespmem:v18+s25+$0x0], $0xffff;
	v28 =	vmul.f32 v17, v63;
	v3 =	vadd.f32 v24, v3  }
0x28d: {  	v30 =	vor.u32 $0x39, v2;
	v29 =	vld.idx.msk [tilespmem:v18+s26+$0x0], $0xffff  }
0x28e: {  	v31 =	vld.idx.msk [tilespmem:v22+s25+$0x0], $0xffff;
	v32 =	vmul.f32 v21, v19;
	v3 =	vadd.f32 v28, v3  }
0x28f: {  	v34 =	vor.u32 $0x3A, v2;
	v33 =	vld.idx.msk [tilespmem:v22+s26+$0x0], $0xffff  }
0x290: {  	v35 =	vld.idx.msk [tilespmem:v26+s25+$0x0], $0xffff;
	v36 =	vmul.f32 v25, v23;
	v3 =	vadd.f32 v32, v3  }
0x291: {  	v38 =	vor.u32 $0x3B, v2;
	v37 =	vld.idx.msk [tilespmem:v26+s26+$0x0], $0xffff  }
0x292: {  	v39 =	vld.idx.msk [tilespmem:v30+s25+$0x0], $0xffff;
	v40 =	vmul.f32 v29, v27;
	v3 =	vadd.f32 v36, v3  }
0x293: {  	v42 =	vor.u32 $0x3C, v2;
	v41 =	vld.idx.msk [tilespmem:v30+s26+$0x0], $0xffff  }
0x294: {  	v43 =	vld.idx.msk [tilespmem:v34+s25+$0x0], $0xffff;
	v44 =	vmul.f32 v33, v31;
	v3 =	vadd.f32 v40, v3  }
0x295: {  	v46 =	vor.u32 $0x3D, v2;
	v45 =	vld.idx.msk [tilespmem:v34+s26+$0x0], $0xffff  }
0x296: {  	v47 =	vld.idx.msk [tilespmem:v38+s25+$0x0], $0xffff;
	v48 =	vmul.f32 v37, v35;
	v3 =	vadd.f32 v44, v3  }
0x297: {  	v50 =	vor.u32 $0x3E, v2;
	v49 =	vld.idx.msk [tilespmem:v38+s26+$0x0], $0xffff  }
0x298: {  	v51 =	vld.idx.msk [tilespmem:v42+s25+$0x0], $0xffff;
	v52 =	vmul.f32 v41, v39;
	v3 =	vadd.f32 v48, v3  }
0x299: {  	v2 =	vor.u32 $0x3F, v2;
	v53 =	vld.idx.msk [tilespmem:v42+s26+$0x0], $0xffff  }
0x29a: {  	v54 =	vld.idx.msk [tilespmem:v46+s25+$0x0], $0xffff;
	v55 =	vmul.f32 v45, v43;
	v3 =	vadd.f32 v52, v3  }
0x29b: {  	v56 =	vld.idx.msk [tilespmem:v46+s26+$0x0], $0xffff  }
0x29c: {  	v57 =	vld.idx.msk [tilespmem:v50+s25+$0x0], $0xffff;
	v58 =	vmul.f32 v49, v47;
	v3 =	vadd.f32 v55, v3  }
0x29d: {  	v59 =	vld.idx.msk [tilespmem:v50+s26+$0x0], $0xffff  }
0x29e: {  	v61 =	vmul.f32 v53, v51;
	v60 =	vld.idx.msk [tilespmem:v2+s25+$0x0], $0xffff;
	v3 =	vadd.f32 v58, v3  }
0x29f: {  	v2 =	vld.idx.msk [tilespmem:v2+s26+$0x0], $0xffff  }
0x2a0: {  	v62 =	vmul.f32 v56, v54;
	v3 =	vadd.f32 v61, v3;
	_ =	sdelay $0x1  }
0x2a1: {  	v63 =	vmul.f32 v59, v57;
	v3 =	vadd.f32 v62, v3;
	_ =	sdelay $0x1  }
0x2a2: {  	v2 =	vmul.f32 v2, v60;
	v3 =	vadd.f32 v63, v3;
	_ =	sdelay $0x1  }
0x2a3: {  	s0 =	sadd.s32 $0x1, s0;
	v2 =	vadd.f32 v2, v3  }
0x2a4: {  	s3 =	sadd.s32 $0x10, s3;
	p0 =	sne.s32 s0, s16  }
.Ltmp1:
0x2a5: {  	[tilespmem:s3+$0x0] =	vst v2;
	(pc) =	sbr.rel @p0 .LBB2_1-.Ltmp1, $4  }
0x2a6: {  	[hbm4b:s15+s2] =	stream.linear.scatter [tilespmem:s31], [sflag:$0x2], $0x200, $0x38;
	[tilespmem:$0x10A00] =	vst v63  }
0x2a7: {  	_ =	swait.ge [sflag:s17], $0x200  }
0x2a8: {  	[sflag:s17] =	ssyncset.done $0x0  }
0x2a9: {  	[sflag:s17] =	ssyncadd.s32 $0xFFFFFE00  }
0x2aa: {  	_ =	sfence.sel $0x180000  }
0x2ab: {  	[bflag:$0x0] =	sbarrier.arrive $0xFFFF  }
0x2ac: {  	_ =	strace $0x90000047  }
0x2ad: {  	s0 =	stileid.u32;
	[bflag:$0x2] =	sbarrier.arrive $0xFFFF  }
0x2ae: {  	p0 =	sne.s32 s0, $0x0;
	s0 =	rddreg [dreg:$0x4]  }
0x2af: {  	s0 =	sadd.s32 @!p0 $0x100000, s0  }
0x2b0: {  	[sflag:s0] =	ssyncadd.tile.s32 @!p0 $0x1;
	_ =	shalt  }
.Lfunc_end2:
_tile_overlayer_lowered:
.L_overlay_start_2:
0x2b1: {  	(tag) =	ssettag $0x2  }
0x2b2: {  	s0 =	rddreg [dreg:$0x0];
	s2 =	stileid.u32  }
0x2b3: {  	s1 =	rddreg [dreg:$0x1];
	p0 =	sne.s32 s2, $0x0  }
0x2b4: {  	s3 =	rddreg [dreg:$0x2];
	[bflag:$0x3] =	sbarrier.arrive $0xFFFF;
	s2 =	simm.s32 @!p0 $0x1C02  }
0x2b5: {  	[timem:s3], [sflag:s2] =	dma.local @!p0 [hbm:s0], s1  }
0x2b6: {  	s0 =	simm.s32 @!p0 $0x2  }
0x2b7: {  	_ =	swait.ge @!p0 [sflag:s0], s1  }
0x2b8: {  	s1 =	ssub.s32 @!p0 $0x0, s1;
	[sflag:s0] =	ssyncset.done @!p0 $0x0  }
0x2b9: {  	[sflag:s0] =	ssyncadd.s32 @!p0 s1  }
0x2ba: {  	[bflag:$0x3] =	sbarrier.arrive $0xFFFF  }
0x2bb: {  	_ =	shalt  }

</sc_bundles>
